<compile_context>
chip_gen: v7x
topology: tpu7x:2x2x1
jax: 0.10.2.dev20260603
libtpu: 0.0.44.dev20260713+nightly
codegen_flags: <defaults>
</compile_context>

<pallas_src>
import functools

import jax
import jax.numpy as jnp
from jax import lax
from jax.experimental import pallas as pl
from jax.experimental.pallas import tpu as pltpu
from jax.experimental.pallas import tpu_sc as plsc

L = 1024
K = 1024
P = 256


BR = 128


def _assign_body(im_ref, c_ref, ie_ref, io_ref, ct_ref):
    @pl.when(pl.program_id(0) == 0)
    def _():
        ct_ref[...] = c_ref[...].T

    IM = im_ref[...]
    CT = ct_ref[...]
    cn = jnp.sum(CT * CT, axis=0)
    for s, out_ref in ((0, ie_ref), (1, io_ref)):
        Xs = IM[:, s * P:(s + 1) * P]
        S = jnp.dot(Xs, CT, preferred_element_type=jnp.float32,
                    precision=lax.Precision.HIGHEST)
        D = cn[None, :] - 2.0 * S
        m = jnp.min(D, axis=1, keepdims=True)
        ids = lax.broadcasted_iota(jnp.int32, D.shape, 1)
        out_ref[...] = jnp.min(jnp.where(D <= m, ids, K), axis=1)


_assign = pl.pallas_call(
    _assign_body,
    grid=(512 // BR,),
    in_specs=[
        pl.BlockSpec((BR, 512), lambda i: (i, 0)),
        pl.BlockSpec((K, P), lambda i: (0, 0)),
    ],
    out_specs=[
        pl.BlockSpec((BR,), lambda i: (i,)),
        pl.BlockSpec((BR,), lambda i: (i,)),
    ],
    out_shape=[
        jax.ShapeDtypeStruct((512,), jnp.int32),
        jax.ShapeDtypeStruct((512,), jnp.int32),
    ],
    scratch_shapes=[pltpu.VMEM((P, K), jnp.float32)],
)


@functools.cache
def _make_sc_gather():
    info = plsc.get_sparse_core_info()
    nw = info.num_cores * info.num_subcores
    rows_per_w = L // nw
    mesh = plsc.VectorSubcoreMesh(core_axis_name="c", subcore_axis_name="s")

    @functools.partial(
        pl.kernel, mesh=mesh,
        compiler_params=pltpu.CompilerParams(
            use_tc_tiling_on_sc=False, needs_layout_passes=False),
        out_type=jax.ShapeDtypeStruct((512, 512), jnp.float32),
        scratch_types=[
            pltpu.VMEM((rows_per_w,), jnp.int32),
            pltpu.VMEM((rows_per_w, P), jnp.float32),
            pltpu.VMEM((rows_per_w, 16, 16), jnp.float32),
            pltpu.SemaphoreType.DMA,
            pltpu.SemaphoreType.DMA,
        ],
    )
    def gather_k(cb_hbm, ie_hbm, io_hbm, out_hbm, idx_p, rows_f, rows_v,
                 sem, sem2):
        m = lax.axis_index("s") * info.num_cores + lax.axis_index("c")
        pltpu.sync_copy(ie_hbm.at[pl.ds(m * 16, 16)], idx_p.at[pl.ds(0, 16)])
        pltpu.sync_copy(io_hbm.at[pl.ds(m * 16, 16)], idx_p.at[pl.ds(16, 16)])
        pltpu.async_copy(cb_hbm.at[idx_p], rows_f, sem).wait()

        def _repack(j, carry):
            for u in range(16):
                rows_v[j, u, :] = rows_f[j, pl.ds(u * 16, 16)]
            return carry

        lax.fori_loop(0, rows_per_w, _repack, 0)
        copies = [
            pltpu.async_copy(
                rows_v.at[j],
                out_hbm.at[pl.ds(m * 16, 16), pl.ds(j * 16, 16)],
                sem2,
            )
            for j in range(rows_per_w)
        ]
        for c in copies:
            c.wait()

    return gather_k


def kernel(image, codebook):
    C = codebook.reshape(K, P)
    ie, io = _assign(image.reshape(512, 512), C)
    q = _make_sc_gather()(C, ie, io)
    return q.reshape(512, 512, 1)

# --- scband reference (transcript-rebuilt; emitter-appended) ---
"""Pipeline reference for scband-vector-quantizer-32847909879838 (READ-ONLY COPY).

The authoritative reference and input builder live on the scoring server;
editing this copy changes nothing except your own understanding.
"""

import jax, jax.numpy as jnp
import numpy as np

CODEBOOK_SIZE = 1024
CHANNELS = 1
BLOCK_SIZE = 16
H = 512
W = 512


def _unfold(x, dim, size, step):
    # torch.Tensor.unfold semantics for the step == size, evenly divisible case:
    # dim is split into (n, size) and the size-window axis is appended at the end.
    n = (x.shape[dim] - size) // step + 1
    new_shape = x.shape[:dim] + (n, size) + x.shape[dim + 1:]
    x = x.reshape(new_shape)
    return jnp.moveaxis(x, dim + 1, -1)


def blockify(image, B):
    C = image.shape[-1]
    blocks = _unfold(_unfold(image, 0, B, B), 1, B, B)
    # torch .reshape(-1, B*B, C) on the (H//B, W//B, C, B, B) view copies in
    # logical row-major order; jnp.reshape matches this exactly.
    return blocks.reshape(-1, B * B, C)


def unblockify(blocks, image_shape, B):
    H_, W_, C = image_shape
    b = blocks.reshape(H_ // B, W_ // B, B, B, C)
    b = jnp.transpose(b, (0, 2, 1, 3, 4))
    return b.reshape(H_, W_, C)


def setup_inputs(seed: int = 0):
    key = jax.random.key(seed)
    k1, k2 = jax.random.split(key)
    image = jax.random.normal(k1, (H, W, CHANNELS), dtype=jnp.float32)
    codebook = jax.random.normal(
        k2, (CODEBOOK_SIZE, BLOCK_SIZE * BLOCK_SIZE, CHANNELS), dtype=jnp.float32
    )
    return {"image": image, "codebook": codebook}


def reference(image, codebook):
    B = BLOCK_SIZE
    # forward: blockify once, then _quantize (which blockifies AGAIN - faithful to module)
    blocks = blockify(image, B)              # [L, B*B, C]
    b2 = blockify(blocks, B)                 # [L, B*B, C] (re-blockified permutation)
    # _codebook_block_distance: expand and norm over dim=2 (the B*B axis)
    diff = b2[:, None, :, :] - codebook[None, :, :, :]   # [L, K, B*B, C]
    distances = jnp.linalg.norm(diff, axis=2)            # [L, K, C]
    closest = jnp.argmin(distances, axis=1)              # [L, C]
    quantized = codebook[closest]                        # [L, C, B*B, C] -> C=1
    return unblockify(quantized, image.shape, B)

if __name__ == "__main__":
    import jax
    _d = setup_inputs()
    print(jax.jit(kernel)(*tuple(_d.values())))

</pallas_src>

<mosaic_0001>
#map = affine_map<(d0, d1) -> (0, 0)>
#map1 = affine_map<(d0, d1) -> (0)>
module attributes {stable_mosaic.version = 14 : i64} {
  func.func @gather_k(%arg0: i32, %arg1: i32, %arg2: memref<1024x256xf32, #tpu.memory_space<hbm>>, %arg3: memref<512xi32, #tpu.memory_space<hbm>>, %arg4: memref<512xi32, #tpu.memory_space<hbm>>, %arg5: memref<512x512xf32, #tpu.memory_space<hbm>>, %arg6: memref<32xi32, #tpu.memory_space<vmem>>, %arg7: memref<32x256xf32, #tpu.memory_space<vmem>>, %arg8: memref<32x16x16xf32, #tpu.memory_space<vmem>>, %arg9: memref<!tpu.dma_semaphore, #tpu.memory_space<semaphore_mem>>, %arg10: memref<!tpu.dma_semaphore, #tpu.memory_space<semaphore_mem>>) attributes {dimension_semantics = [#tpu.dimension_semantics<core_parallel>, #tpu.dimension_semantics<subcore_parallel>], iteration_bounds = array<i64: 2, 16>, scalar_prefetch = 0 : i64, scratch_operands = 5 : i64, tpu.core_type = #tpu.core_type<sc_vector_subcore>, window_params = [{transform_indices = #map}, {transform_indices = #map1}, {transform_indices = #map1}, {transform_indices = #map}]} {
    %mul3A = arith.constant 2 : i32
    %mul3A_0 = arith.muli %arg1, %mul3A : i32
    %add3A = arith.addi %mul3A_0, %arg0 : i32
    %mul3A_1 = arith.constant 16 : i32
    %mul3A_2 = arith.muli %add3A, %mul3A_1 : i32
    "tpu.region"() ({
      %run_scoped3A = tpu.sem_alloc : memref<!tpu.dma_semaphore, #tpu.memory_space<semaphore_mem>>
      %dma_start3A_910 = arith.constant 0 : i32
      %dma_start3A_911 = tpu.memref_slice %arg6[%dma_start3A_910] : memref<32xi32, #tpu.memory_space<vmem>> -> memref<16xi32, #tpu.memory_space<vmem>>
      %dma_start3A_912 = tpu.memref_slice %arg3[%mul3A_2] : memref<512xi32, #tpu.memory_space<hbm>> -> memref<16xi32, #tpu.memory_space<hbm>>
      %dma_start3A_913 = arith.constant 0 : i32
      %dma_start3A_914 = tpu.memref_slice %arg6[%dma_start3A_913] : memref<32xi32, #tpu.memory_space<vmem>> -> memref<16xi32, #tpu.memory_space<vmem>>
      %dma_start3A_915 = tpu.memref_slice %arg3[%mul3A_2] : memref<512xi32, #tpu.memory_space<hbm>> -> memref<16xi32, #tpu.memory_space<hbm>>
      tpu.enqueue_dma source(%dma_start3A_915 : memref<16xi32, #tpu.memory_space<hbm>>) target(%dma_start3A_914 : memref<16xi32, #tpu.memory_space<vmem>>) target_semaphore(%run_scoped3A : memref<!tpu.dma_semaphore, #tpu.memory_space<semaphore_mem>>)
      %dma_wait3A_916 = arith.constant 0 : i32
      %dma_wait3A_917 = tpu.memref_slice %arg6[%dma_wait3A_916] : memref<32xi32, #tpu.memory_space<vmem>> -> memref<16xi32, #tpu.memory_space<vmem>>
      %dma_wait3A_918 = tpu.memref_slice %arg3[%mul3A_2] : memref<512xi32, #tpu.memory_space<hbm>> -> memref<16xi32, #tpu.memory_space<hbm>>
      %dma_wait3A_919 = arith.constant 0 : i32
      %dma_wait3A_920 = tpu.memref_slice %arg6[%dma_wait3A_919] : memref<32xi32, #tpu.memory_space<vmem>> -> memref<16xi32, #tpu.memory_space<vmem>>
      %dma_wait3A_921 = tpu.memref_slice %arg3[%mul3A_2] : memref<512xi32, #tpu.memory_space<hbm>> -> memref<16xi32, #tpu.memory_space<hbm>>
      tpu.wait_dma2 semaphore(%run_scoped3A : memref<!tpu.dma_semaphore, #tpu.memory_space<semaphore_mem>>) src(%dma_wait3A_921 : memref<16xi32, #tpu.memory_space<hbm>>) dst(%dma_wait3A_920 : memref<16xi32, #tpu.memory_space<vmem>>)
      tpu.yield
    }) : () -> ()
    %mul3A_3 = arith.constant 16 : i32
    %mul3A_4 = arith.muli %add3A, %mul3A_3 : i32
    "tpu.region"() ({
      %run_scoped3A = tpu.sem_alloc : memref<!tpu.dma_semaphore, #tpu.memory_space<semaphore_mem>>
      %dma_start3A_910 = arith.constant 16 : i32
      %dma_start3A_911 = tpu.memref_slice %arg6[%dma_start3A_910] : memref<32xi32, #tpu.memory_space<vmem>> -> memref<16xi32, #tpu.memory_space<vmem>>
      %dma_start3A_912 = tpu.memref_slice %arg4[%mul3A_4] : memref<512xi32, #tpu.memory_space<hbm>> -> memref<16xi32, #tpu.memory_space<hbm>>
      %dma_start3A_913 = arith.constant 16 : i32
      %dma_start3A_914 = tpu.memref_slice %arg6[%dma_start3A_913] : memref<32xi32, #tpu.memory_space<vmem>> -> memref<16xi32, #tpu.memory_space<vmem>>
      %dma_start3A_915 = tpu.memref_slice %arg4[%mul3A_4] : memref<512xi32, #tpu.memory_space<hbm>> -> memref<16xi32, #tpu.memory_space<hbm>>
      tpu.enqueue_dma source(%dma_start3A_915 : memref<16xi32, #tpu.memory_space<hbm>>) target(%dma_start3A_914 : memref<16xi32, #tpu.memory_space<vmem>>) target_semaphore(%run_scoped3A : memref<!tpu.dma_semaphore, #tpu.memory_space<semaphore_mem>>)
      %dma_wait3A_916 = arith.constant 16 : i32
      %dma_wait3A_917 = tpu.memref_slice %arg6[%dma_wait3A_916] : memref<32xi32, #tpu.memory_space<vmem>> -> memref<16xi32, #tpu.memory_space<vmem>>
      %dma_wait3A_918 = tpu.memref_slice %arg4[%mul3A_4] : memref<512xi32, #tpu.memory_space<hbm>> -> memref<16xi32, #tpu.memory_space<hbm>>
      %dma_wait3A_919 = arith.constant 16 : i32
      %dma_wait3A_920 = tpu.memref_slice %arg6[%dma_wait3A_919] : memref<32xi32, #tpu.memory_space<vmem>> -> memref<16xi32, #tpu.memory_space<vmem>>
      %dma_wait3A_921 = tpu.memref_slice %arg4[%mul3A_4] : memref<512xi32, #tpu.memory_space<hbm>> -> memref<16xi32, #tpu.memory_space<hbm>>
      tpu.wait_dma2 semaphore(%run_scoped3A : memref<!tpu.dma_semaphore, #tpu.memory_space<semaphore_mem>>) src(%dma_wait3A_921 : memref<16xi32, #tpu.memory_space<hbm>>) dst(%dma_wait3A_920 : memref<16xi32, #tpu.memory_space<vmem>>)
      tpu.yield
    }) : () -> ()
    %dma_start3A = arith.constant 0 : i32
    %dma_start3A_5 = arith.constant 0 : i32
    %dma_start3A_6 = tpu.memref_slice %arg2[%dma_start3A, %dma_start3A_5] : memref<1024x256xf32, #tpu.memory_space<hbm>> -> memref<1024x256xf32, #tpu.memory_space<hbm>>
    tpu.enqueue_indirect_dma source(%dma_start3A_6 : memref<1024x256xf32, #tpu.memory_space<hbm>>) target(%arg7 : memref<32x256xf32, #tpu.memory_space<vmem>>) offsets(%arg6 : memref<32xi32, #tpu.memory_space<vmem>>) semaphore(%arg9 : memref<!tpu.dma_semaphore, #tpu.memory_space<semaphore_mem>>)
    %dma_wait3A = arith.constant 0 : i32
    %dma_wait3A_7 = arith.constant 0 : i32
    %dma_wait3A_8 = tpu.memref_slice %arg2[%dma_wait3A, %dma_wait3A_7] : memref<1024x256xf32, #tpu.memory_space<hbm>> -> memref<1024x256xf32, #tpu.memory_space<hbm>>
    tpu.wait_indirect_dma semaphore(%arg9 : memref<!tpu.dma_semaphore, #tpu.memory_space<semaphore_mem>>) src(%dma_wait3A_8 : memref<1024x256xf32, #tpu.memory_space<hbm>>) dst(%arg7 : memref<32x256xf32, #tpu.memory_space<vmem>>)
    %scan3A = arith.constant 0 : i32
    %scan3A_9 = arith.constant 0 : i32
    %scan3A_10 = arith.constant 32 : i32
    %scan3A_11 = arith.addi %scan3A_9, %scan3A_10 : i32
    %scan3A_12 = arith.constant 1 : i32
    scf.for %scan3A_910 = %scan3A_9 to %scan3A_11 step %scan3A_12  : i32 {
      %get3A = arith.index_cast %scan3A_910 : i32 to index
      %get3A_911 = arith.constant 0 : index
      %get3A_912 = tpu.vector_load %arg7[%get3A, %get3A_911] {strides = array<i32>} : memref<32x256xf32, #tpu.memory_space<vmem>>, vector<16xf32>,
      %swap3A = arith.constant 0 : i32
      %swap3A_913 = arith.index_cast %scan3A_910 : i32 to index
      %swap3A_914 = arith.index_cast %swap3A : i32 to index
      %swap3A_915 = arith.constant 0 : index
      %swap3A_916 = tpu.vector_load %arg8[%swap3A_913, %swap3A_914, %swap3A_915] {strides = array<i32>} : memref<32x16x16xf32, #tpu.memory_space<vmem>>, vector<16xf32>,
      tpu.vector_store %arg8[%swap3A_913, %swap3A_914, %swap3A_915], %get3A_912 {strides = array<i32>} : memref<32x16x16xf32, #tpu.memory_space<vmem>>, vector<16xf32>,
      %get3A_917 = arith.index_cast %scan3A_910 : i32 to index
      %get3A_918 = arith.constant 16 : index
      %get3A_919 = tpu.vector_load %arg7[%get3A_917, %get3A_918] {strides = array<i32>} : memref<32x256xf32, #tpu.memory_space<vmem>>, vector<16xf32>,
      %swap3A_920 = arith.constant 1 : i32
      %swap3A_921 = arith.index_cast %scan3A_910 : i32 to index
      %swap3A_922 = arith.index_cast %swap3A_920 : i32 to index
      %swap3A_923 = arith.constant 0 : index
      %swap3A_924 = tpu.vector_load %arg8[%swap3A_921, %swap3A_922, %swap3A_923] {strides = array<i32>} : memref<32x16x16xf32, #tpu.memory_space<vmem>>, vector<16xf32>,
      tpu.vector_store %arg8[%swap3A_921, %swap3A_922, %swap3A_923], %get3A_919 {strides = array<i32>} : memref<32x16x16xf32, #tpu.memory_space<vmem>>, vector<16xf32>,
      %get3A_925 = arith.index_cast %scan3A_910 : i32 to index
      %get3A_926 = arith.constant 32 : index
      %get3A_927 = tpu.vector_load %arg7[%get3A_925, %get3A_926] {strides = array<i32>} : memref<32x256xf32, #tpu.memory_space<vmem>>, vector<16xf32>,
      %swap3A_928 = arith.constant 2 : i32
      %swap3A_929 = arith.index_cast %scan3A_910 : i32 to index
      %swap3A_930 = arith.index_cast %swap3A_928 : i32 to index
      %swap3A_931 = arith.constant 0 : index
      %swap3A_932 = tpu.vector_load %arg8[%swap3A_929, %swap3A_930, %swap3A_931] {strides = array<i32>} : memref<32x16x16xf32, #tpu.memory_space<vmem>>, vector<16xf32>,
      tpu.vector_store %arg8[%swap3A_929, %swap3A_930, %swap3A_931], %get3A_927 {strides = array<i32>} : memref<32x16x16xf32, #tpu.memory_space<vmem>>, vector<16xf32>,
      %get3A_933 = arith.index_cast %scan3A_910 : i32 to index
      %get3A_934 = arith.constant 48 : index
      %get3A_935 = tpu.vector_load %arg7[%get3A_933, %get3A_934] {strides = array<i32>} : memref<32x256xf32, #tpu.memory_space<vmem>>, vector<16xf32>,
      %swap3A_936 = arith.constant 3 : i32
      %swap3A_937 = arith.index_cast %scan3A_910 : i32 to index
      %swap3A_938 = arith.index_cast %swap3A_936 : i32 to index
      %swap3A_939 = arith.constant 0 : index
      %swap3A_940 = tpu.vector_load %arg8[%swap3A_937, %swap3A_938, %swap3A_939] {strides = array<i32>} : memref<32x16x16xf32, #tpu.memory_space<vmem>>, vector<16xf32>,
      tpu.vector_store %arg8[%swap3A_937, %swap3A_938, %swap3A_939], %get3A_935 {strides = array<i32>} : memref<32x16x16xf32, #tpu.memory_space<vmem>>, vector<16xf32>,
      %get3A_941 = arith.index_cast %scan3A_910 : i32 to index
      %get3A_942 = arith.constant 64 : index
      %get3A_943 = tpu.vector_load %arg7[%get3A_941, %get3A_942] {strides = array<i32>} : memref<32x256xf32, #tpu.memory_space<vmem>>, vector<16xf32>,
      %swap3A_944 = arith.constant 4 : i32
      %swap3A_945 = arith.index_cast %scan3A_910 : i32 to index
      %swap3A_946 = arith.index_cast %swap3A_944 : i32 to index
      %swap3A_947 = arith.constant 0 : index
      %swap3A_948 = tpu.vector_load %arg8[%swap3A_945, %swap3A_946, %swap3A_947] {strides = array<i32>} : memref<32x16x16xf32, #tpu.memory_space<vmem>>, vector<16xf32>,
      tpu.vector_store %arg8[%swap3A_945, %swap3A_946, %swap3A_947], %get3A_943 {strides = array<i32>} : memref<32x16x16xf32, #tpu.memory_space<vmem>>, vector<16xf32>,
      %get3A_949 = arith.index_cast %scan3A_910 : i32 to index
      %get3A_950 = arith.constant 80 : index
      %get3A_951 = tpu.vector_load %arg7[%get3A_949, %get3A_950] {strides = array<i32>} : memref<32x256xf32, #tpu.memory_space<vmem>>, vector<16xf32>,
      %swap3A_952 = arith.constant 5 : i32
      %swap3A_953 = arith.index_cast %scan3A_910 : i32 to index
      %swap3A_954 = arith.index_cast %swap3A_952 : i32 to index
      %swap3A_955 = arith.constant 0 : index
      %swap3A_956 = tpu.vector_load %arg8[%swap3A_953, %swap3A_954, %swap3A_955] {strides = array<i32>} : memref<32x16x16xf32, #tpu.memory_space<vmem>>, vector<16xf32>,
      tpu.vector_store %arg8[%swap3A_953, %swap3A_954, %swap3A_955], %get3A_951 {strides = array<i32>} : memref<32x16x16xf32, #tpu.memory_space<vmem>>, vector<16xf32>,
      %get3A_957 = arith.index_cast %scan3A_910 : i32 to index
      %get3A_958 = arith.constant 96 : index
      %get3A_959 = tpu.vector_load %arg7[%get3A_957, %get3A_958] {strides = array<i32>} : memref<32x256xf32, #tpu.memory_space<vmem>>, vector<16xf32>,
      %swap3A_960 = arith.constant 6 : i32
      %swap3A_961 = arith.index_cast %scan3A_910 : i32 to index
      %swap3A_962 = arith.index_cast %swap3A_960 : i32 to index
      %swap3A_963 = arith.constant 0 : index
      %swap3A_964 = tpu.vector_load %arg8[%swap3A_961, %swap3A_962, %swap3A_963] {strides = array<i32>} : memref<32x16x16xf32, #tpu.memory_space<vmem>>, vector<16xf32>,
      tpu.vector_store %arg8[%swap3A_961, %swap3A_962, %swap3A_963], %get3A_959 {strides = array<i32>} : memref<32x16x16xf32, #tpu.memory_space<vmem>>, vector<16xf32>,
      %get3A_965 = arith.index_cast %scan3A_910 : i32 to index
      %get3A_966 = arith.constant 112 : index
      %get3A_967 = tpu.vector_load %arg7[%get3A_965, %get3A_966] {strides = array<i32>} : memref<32x256xf32, #tpu.memory_space<vmem>>, vector<16xf32>,
      %swap3A_968 = arith.constant 7 : i32
      %swap3A_969 = arith.index_cast %scan3A_910 : i32 to index
      %swap3A_970 = arith.index_cast %swap3A_968 : i32 to index
      %swap3A_971 = arith.constant 0 : index
      %swap3A_972 = tpu.vector_load %arg8[%swap3A_969, %swap3A_970, %swap3A_971] {strides = array<i32>} : memref<32x16x16xf32, #tpu.memory_space<vmem>>, vector<16xf32>,
      tpu.vector_store %arg8[%swap3A_969, %swap3A_970, %swap3A_971], %get3A_967 {strides = array<i32>} : memref<32x16x16xf32, #tpu.memory_space<vmem>>, vector<16xf32>,
      %get3A_973 = arith.index_cast %scan3A_910 : i32 to index
      %get3A_974 = arith.constant 128 : index
      %get3A_975 = tpu.vector_load %arg7[%get3A_973, %get3A_974] {strides = array<i32>} : memref<32x256xf32, #tpu.memory_space<vmem>>, vector<16xf32>,
      %swap3A_976 = arith.constant 8 : i32
      %swap3A_977 = arith.index_cast %scan3A_910 : i32 to index
      %swap3A_978 = arith.index_cast %swap3A_976 : i32 to index
      %swap3A_979 = arith.constant 0 : index
      %swap3A_980 = tpu.vector_load %arg8[%swap3A_977, %swap3A_978, %swap3A_979] {strides = array<i32>} : memref<32x16x16xf32, #tpu.memory_space<vmem>>, vector<16xf32>,
      tpu.vector_store %arg8[%swap3A_977, %swap3A_978, %swap3A_979], %get3A_975 {strides = array<i32>} : memref<32x16x16xf32, #tpu.memory_space<vmem>>, vector<16xf32>,
      %get3A_981 = arith.index_cast %scan3A_910 : i32 to index
      %get3A_982 = arith.constant 144 : index
      %get3A_983 = tpu.vector_load %arg7[%get3A_981, %get3A_982] {strides = array<i32>} : memref<32x256xf32, #tpu.memory_space<vmem>>, vector<16xf32>,
      %swap3A_984 = arith.constant 9 : i32
      %swap3A_985 = arith.index_cast %scan3A_910 : i32 to index
      %swap3A_986 = arith.index_cast %swap3A_984 : i32 to index
      %swap3A_987 = arith.constant 0 : index
      %swap3A_988 = tpu.vector_load %arg8[%swap3A_985, %swap3A_986, %swap3A_987] {strides = array<i32>} : memref<32x16x16xf32, #tpu.memory_space<vmem>>, vector<16xf32>,
      tpu.vector_store %arg8[%swap3A_985, %swap3A_986, %swap3A_987], %get3A_983 {strides = array<i32>} : memref<32x16x16xf32, #tpu.memory_space<vmem>>, vector<16xf32>,
      %get3A_989 = arith.index_cast %scan3A_910 : i32 to index
      %get3A_990 = arith.constant 160 : index
      %get3A_991 = tpu.vector_load %arg7[%get3A_989, %get3A_990] {strides = array<i32>} : memref<32x256xf32, #tpu.memory_space<vmem>>, vector<16xf32>,
      %swap3A_992 = arith.constant 10 : i32
      %swap3A_993 = arith.index_cast %scan3A_910 : i32 to index
      %swap3A_994 = arith.index_cast %swap3A_992 : i32 to index
      %swap3A_995 = arith.constant 0 : index
      %swap3A_996 = tpu.vector_load %arg8[%swap3A_993, %swap3A_994, %swap3A_995] {strides = array<i32>} : memref<32x16x16xf32, #tpu.memory_space<vmem>>, vector<16xf32>,
      tpu.vector_store %arg8[%swap3A_993, %swap3A_994, %swap3A_995], %get3A_991 {strides = array<i32>} : memref<32x16x16xf32, #tpu.memory_space<vmem>>, vector<16xf32>,
      %get3A_997 = arith.index_cast %scan3A_910 : i32 to index
      %get3A_998 = arith.constant 176 : index
      %get3A_999 = tpu.vector_load %arg7[%get3A_997, %get3A_998] {strides = array<i32>} : memref<32x256xf32, #tpu.memory_space<vmem>>, vector<16xf32>,
      %swap3A_1000 = arith.constant 11 : i32
      %swap3A_1001 = arith.index_cast %scan3A_910 : i32 to index
      %swap3A_1002 = arith.index_cast %swap3A_1000 : i32 to index
      %swap3A_1003 = arith.constant 0 : index
      %swap3A_1004 = tpu.vector_load %arg8[%swap3A_1001, %swap3A_1002, %swap3A_1003] {strides = array<i32>} : memref<32x16x16xf32, #tpu.memory_space<vmem>>, vector<16xf32>,
      tpu.vector_store %arg8[%swap3A_1001, %swap3A_1002, %swap3A_1003], %get3A_999 {strides = array<i32>} : memref<32x16x16xf32, #tpu.memory_space<vmem>>, vector<16xf32>,
      %get3A_1005 = arith.index_cast %scan3A_910 : i32 to index
      %get3A_1006 = arith.constant 192 : index
      %get3A_1007 = tpu.vector_load %arg7[%get3A_1005, %get3A_1006] {strides = array<i32>} : memref<32x256xf32, #tpu.memory_space<vmem>>, vector<16xf32>,
      %swap3A_1008 = arith.constant 12 : i32
      %swap3A_1009 = arith.index_cast %scan3A_910 : i32 to index
      %swap3A_1010 = arith.index_cast %swap3A_1008 : i32 to index
      %swap3A_1011 = arith.constant 0 : index
      %swap3A_1012 = tpu.vector_load %arg8[%swap3A_1009, %swap3A_1010, %swap3A_1011] {strides = array<i32>} : memref<32x16x16xf32, #tpu.memory_space<vmem>>, vector<16xf32>,
      tpu.vector_store %arg8[%swap3A_1009, %swap3A_1010, %swap3A_1011], %get3A_1007 {strides = array<i32>} : memref<32x16x16xf32, #tpu.memory_space<vmem>>, vector<16xf32>,
      %get3A_1013 = arith.index_cast %scan3A_910 : i32 to index
      %get3A_1014 = arith.constant 208 : index
      %get3A_1015 = tpu.vector_load %arg7[%get3A_1013, %get3A_1014] {strides = array<i32>} : memref<32x256xf32, #tpu.memory_space<vmem>>, vector<16xf32>,
      %swap3A_1016 = arith.constant 13 : i32
      %swap3A_1017 = arith.index_cast %scan3A_910 : i32 to index
      %swap3A_1018 = arith.index_cast %swap3A_1016 : i32 to index
      %swap3A_1019 = arith.constant 0 : index
      %swap3A_1020 = tpu.vector_load %arg8[%swap3A_1017, %swap3A_1018, %swap3A_1019] {strides = array<i32>} : memref<32x16x16xf32, #tpu.memory_space<vmem>>, vector<16xf32>,
      tpu.vector_store %arg8[%swap3A_1017, %swap3A_1018, %swap3A_1019], %get3A_1015 {strides = array<i32>} : memref<32x16x16xf32, #tpu.memory_space<vmem>>, vector<16xf32>,
      %get3A_1021 = arith.index_cast %scan3A_910 : i32 to index
      %get3A_1022 = arith.constant 224 : index
      %get3A_1023 = tpu.vector_load %arg7[%get3A_1021, %get3A_1022] {strides = array<i32>} : memref<32x256xf32, #tpu.memory_space<vmem>>, vector<16xf32>,
      %swap3A_1024 = arith.constant 14 : i32
      %swap3A_1025 = arith.index_cast %scan3A_910 : i32 to index
      %swap3A_1026 = arith.index_cast %swap3A_1024 : i32 to index
      %swap3A_1027 = arith.constant 0 : index
      %swap3A_1028 = tpu.vector_load %arg8[%swap3A_1025, %swap3A_1026, %swap3A_1027] {strides = array<i32>} : memref<32x16x16xf32, #tpu.memory_space<vmem>>, vector<16xf32>,
      tpu.vector_store %arg8[%swap3A_1025, %swap3A_1026, %swap3A_1027], %get3A_1023 {strides = array<i32>} : memref<32x16x16xf32, #tpu.memory_space<vmem>>, vector<16xf32>,
      %get3A_1029 = arith.index_cast %scan3A_910 : i32 to index
      %get3A_1030 = arith.constant 240 : index
      %get3A_1031 = tpu.vector_load %arg7[%get3A_1029, %get3A_1030] {strides = array<i32>} : memref<32x256xf32, #tpu.memory_space<vmem>>, vector<16xf32>,
      %swap3A_1032 = arith.constant 15 : i32
      %swap3A_1033 = arith.index_cast %scan3A_910 : i32 to index
      %swap3A_1034 = arith.index_cast %swap3A_1032 : i32 to index
      %swap3A_1035 = arith.constant 0 : index
      %swap3A_1036 = tpu.vector_load %arg8[%swap3A_1033, %swap3A_1034, %swap3A_1035] {strides = array<i32>} : memref<32x16x16xf32, #tpu.memory_space<vmem>>, vector<16xf32>,
      tpu.vector_store %arg8[%swap3A_1033, %swap3A_1034, %swap3A_1035], %get3A_1031 {strides = array<i32>} : memref<32x16x16xf32, #tpu.memory_space<vmem>>, vector<16xf32>,
    }
    %scan3A_13 = arith.constant 32 : i32
    %mul3A_14 = arith.constant 16 : i32
    %mul3A_15 = arith.muli %add3A, %mul3A_14 : i32
    %dma_start3A_16 = arith.constant 0 : i32
    %dma_start3A_17 = arith.constant 0 : i32
    %dma_start3A_18 = arith.constant 0 : i32
    %dma_start3A_19 = tpu.memref_slice %arg8[%dma_start3A_16, %dma_start3A_17, %dma_start3A_18] : memref<32x16x16xf32, #tpu.memory_space<vmem>> -> memref<1x16x16xf32, #tpu.memory_space<vmem>>
    %dma_start3A_20 = tpu.memref_squeeze %dma_start3A_19 : memref<1x16x16xf32, #tpu.memory_space<vmem>> -> memref<16x16xf32, #tpu.memory_space<vmem>>
    %dma_start3A_21 = arith.constant 0 : i32
    %dma_start3A_22 = tpu.memref_slice %arg5[%mul3A_15, %dma_start3A_21] : memref<512x512xf32, #tpu.memory_space<hbm>> -> memref<16x16xf32, #tpu.memory_space<hbm>>
    %dma_start3A_23 = arith.constant 0 : i32
    %dma_start3A_24 = tpu.memref_slice %arg5[%mul3A_15, %dma_start3A_23] : memref<512x512xf32, #tpu.memory_space<hbm>> -> memref<16x16xf32, #tpu.memory_space<hbm>>
    %dma_start3A_25 = arith.constant 0 : i32
    %dma_start3A_26 = arith.constant 0 : i32
    %dma_start3A_27 = tpu.memref_slice %arg8[%dma_start3A_16, %dma_start3A_25, %dma_start3A_26] : memref<32x16x16xf32, #tpu.memory_space<vmem>> -> memref<1x16x16xf32, #tpu.memory_space<vmem>>
    %dma_start3A_28 = tpu.memref_squeeze %dma_start3A_27 : memref<1x16x16xf32, #tpu.memory_space<vmem>> -> memref<16x16xf32, #tpu.memory_space<vmem>>
    tpu.enqueue_dma source(%dma_start3A_28 : memref<16x16xf32, #tpu.memory_space<vmem>>) target(%dma_start3A_24 : memref<16x16xf32, #tpu.memory_space<hbm>>) target_semaphore(%arg10 : memref<!tpu.dma_semaphore, #tpu.memory_space<semaphore_mem>>)
    %mul3A_29 = arith.constant 16 : i32
    %mul3A_30 = arith.muli %add3A, %mul3A_29 : i32
    %dma_start3A_31 = arith.constant 1 : i32
    %dma_start3A_32 = arith.constant 0 : i32
    %dma_start3A_33 = arith.constant 0 : i32
    %dma_start3A_34 = tpu.memref_slice %arg8[%dma_start3A_31, %dma_start3A_32, %dma_start3A_33] : memref<32x16x16xf32, #tpu.memory_space<vmem>> -> memref<1x16x16xf32, #tpu.memory_space<vmem>>
    %dma_start3A_35 = tpu.memref_squeeze %dma_start3A_34 : memref<1x16x16xf32, #tpu.memory_space<vmem>> -> memref<16x16xf32, #tpu.memory_space<vmem>>
    %dma_start3A_36 = arith.constant 16 : i32
    %dma_start3A_37 = tpu.memref_slice %arg5[%mul3A_30, %dma_start3A_36] : memref<512x512xf32, #tpu.memory_space<hbm>> -> memref<16x16xf32, #tpu.memory_space<hbm>>
    %dma_start3A_38 = arith.constant 16 : i32
    %dma_start3A_39 = tpu.memref_slice %arg5[%mul3A_30, %dma_start3A_38] : memref<512x512xf32, #tpu.memory_space<hbm>> -> memref<16x16xf32, #tpu.memory_space<hbm>>
    %dma_start3A_40 = arith.constant 0 : i32
    %dma_start3A_41 = arith.constant 0 : i32
    %dma_start3A_42 = tpu.memref_slice %arg8[%dma_start3A_31, %dma_start3A_40, %dma_start3A_41] : memref<32x16x16xf32, #tpu.memory_space<vmem>> -> memref<1x16x16xf32, #tpu.memory_space<vmem>>
    %dma_start3A_43 = tpu.memref_squeeze %dma_start3A_42 : memref<1x16x16xf32, #tpu.memory_space<vmem>> -> memref<16x16xf32, #tpu.memory_space<vmem>>
    tpu.enqueue_dma source(%dma_start3A_43 : memref<16x16xf32, #tpu.memory_space<vmem>>) target(%dma_start3A_39 : memref<16x16xf32, #tpu.memory_space<hbm>>) target_semaphore(%arg10 : memref<!tpu.dma_semaphore, #tpu.memory_space<semaphore_mem>>)
    %mul3A_44 = arith.constant 16 : i32
    %mul3A_45 = arith.muli %add3A, %mul3A_44 : i32
    %dma_start3A_46 = arith.constant 2 : i32
    %dma_start3A_47 = arith.constant 0 : i32
    %dma_start3A_48 = arith.constant 0 : i32
    %dma_start3A_49 = tpu.memref_slice %arg8[%dma_start3A_46, %dma_start3A_47, %dma_start3A_48] : memref<32x16x16xf32, #tpu.memory_space<vmem>> -> memref<1x16x16xf32, #tpu.memory_space<vmem>>
    %dma_start3A_50 = tpu.memref_squeeze %dma_start3A_49 : memref<1x16x16xf32, #tpu.memory_space<vmem>> -> memref<16x16xf32, #tpu.memory_space<vmem>>
    %dma_start3A_51 = arith.constant 32 : i32
    %dma_start3A_52 = tpu.memref_slice %arg5[%mul3A_45, %dma_start3A_51] : memref<512x512xf32, #tpu.memory_space<hbm>> -> memref<16x16xf32, #tpu.memory_space<hbm>>
    %dma_start3A_53 = arith.constant 32 : i32
    %dma_start3A_54 = tpu.memref_slice %arg5[%mul3A_45, %dma_start3A_53] : memref<512x512xf32, #tpu.memory_space<hbm>> -> memref<16x16xf32, #tpu.memory_space<hbm>>
    %dma_start3A_55 = arith.constant 0 : i32
    %dma_start3A_56 = arith.constant 0 : i32
    %dma_start3A_57 = tpu.memref_slice %arg8[%dma_start3A_46, %dma_start3A_55, %dma_start3A_56] : memref<32x16x16xf32, #tpu.memory_space<vmem>> -> memref<1x16x16xf32, #tpu.memory_space<vmem>>
    %dma_start3A_58 = tpu.memref_squeeze %dma_start3A_57 : memref<1x16x16xf32, #tpu.memory_space<vmem>> -> memref<16x16xf32, #tpu.memory_space<vmem>>
    tpu.enqueue_dma source(%dma_start3A_58 : memref<16x16xf32, #tpu.memory_space<vmem>>) target(%dma_start3A_54 : memref<16x16xf32, #tpu.memory_space<hbm>>) target_semaphore(%arg10 : memref<!tpu.dma_semaphore, #tpu.memory_space<semaphore_mem>>)
    %mul3A_59 = arith.constant 16 : i32
    %mul3A_60 = arith.muli %add3A, %mul3A_59 : i32
    %dma_start3A_61 = arith.constant 3 : i32
    %dma_start3A_62 = arith.constant 0 : i32
    %dma_start3A_63 = arith.constant 0 : i32
    %dma_start3A_64 = tpu.memref_slice %arg8[%dma_start3A_61, %dma_start3A_62, %dma_start3A_63] : memref<32x16x16xf32, #tpu.memory_space<vmem>> -> memref<1x16x16xf32, #tpu.memory_space<vmem>>
    %dma_start3A_65 = tpu.memref_squeeze %dma_start3A_64 : memref<1x16x16xf32, #tpu.memory_space<vmem>> -> memref<16x16xf32, #tpu.memory_space<vmem>>
    %dma_start3A_66 = arith.constant 48 : i32
    %dma_start3A_67 = tpu.memref_slice %arg5[%mul3A_60, %dma_start3A_66] : memref<512x512xf32, #tpu.memory_space<hbm>> -> memref<16x16xf32, #tpu.memory_space<hbm>>
    %dma_start3A_68 = arith.constant 48 : i32
    %dma_start3A_69 = tpu.memref_slice %arg5[%mul3A_60, %dma_start3A_68] : memref<512x512xf32, #tpu.memory_space<hbm>> -> memref<16x16xf32, #tpu.memory_space<hbm>>
    %dma_start3A_70 = arith.constant 0 : i32
    %dma_start3A_71 = arith.constant 0 : i32
    %dma_start3A_72 = tpu.memref_slice %arg8[%dma_start3A_61, %dma_start3A_70, %dma_start3A_71] : memref<32x16x16xf32, #tpu.memory_space<vmem>> -> memref<1x16x16xf32, #tpu.memory_space<vmem>>
    %dma_start3A_73 = tpu.memref_squeeze %dma_start3A_72 : memref<1x16x16xf32, #tpu.memory_space<vmem>> -> memref<16x16xf32, #tpu.memory_space<vmem>>
    tpu.enqueue_dma source(%dma_start3A_73 : memref<16x16xf32, #tpu.memory_space<vmem>>) target(%dma_start3A_69 : memref<16x16xf32, #tpu.memory_space<hbm>>) target_semaphore(%arg10 : memref<!tpu.dma_semaphore, #tpu.memory_space<semaphore_mem>>)
    %mul3A_74 = arith.constant 16 : i32
    %mul3A_75 = arith.muli %add3A, %mul3A_74 : i32
    %dma_start3A_76 = arith.constant 4 : i32
    %dma_start3A_77 = arith.constant 0 : i32
    %dma_start3A_78 = arith.constant 0 : i32
    %dma_start3A_79 = tpu.memref_slice %arg8[%dma_start3A_76, %dma_start3A_77, %dma_start3A_78] : memref<32x16x16xf32, #tpu.memory_space<vmem>> -> memref<1x16x16xf32, #tpu.memory_space<vmem>>
    %dma_start3A_80 = tpu.memref_squeeze %dma_start3A_79 : memref<1x16x16xf32, #tpu.memory_space<vmem>> -> memref<16x16xf32, #tpu.memory_space<vmem>>
    %dma_start3A_81 = arith.constant 64 : i32
    %dma_start3A_82 = tpu.memref_slice %arg5[%mul3A_75, %dma_start3A_81] : memref<512x512xf32, #tpu.memory_space<hbm>> -> memref<16x16xf32, #tpu.memory_space<hbm>>
    %dma_start3A_83 = arith.constant 64 : i32
    %dma_start3A_84 = tpu.memref_slice %arg5[%mul3A_75, %dma_start3A_83] : memref<512x512xf32, #tpu.memory_space<hbm>> -> memref<16x16xf32, #tpu.memory_space<hbm>>
    %dma_start3A_85 = arith.constant 0 : i32
    %dma_start3A_86 = arith.constant 0 : i32
    %dma_start3A_87 = tpu.memref_slice %arg8[%dma_start3A_76, %dma_start3A_85, %dma_start3A_86] : memref<32x16x16xf32, #tpu.memory_space<vmem>> -> memref<1x16x16xf32, #tpu.memory_space<vmem>>
    %dma_start3A_88 = tpu.memref_squeeze %dma_start3A_87 : memref<1x16x16xf32, #tpu.memory_space<vmem>> -> memref<16x16xf32, #tpu.memory_space<vmem>>
    tpu.enqueue_dma source(%dma_start3A_88 : memref<16x16xf32, #tpu.memory_space<vmem>>) target(%dma_start3A_84 : memref<16x16xf32, #tpu.memory_space<hbm>>) target_semaphore(%arg10 : memref<!tpu.dma_semaphore, #tpu.memory_space<semaphore_mem>>)
    %mul3A_89 = arith.constant 16 : i32
    %mul3A_90 = arith.muli %add3A, %mul3A_89 : i32
    %dma_start3A_91 = arith.constant 5 : i32
    %dma_start3A_92 = arith.constant 0 : i32
    %dma_start3A_93 = arith.constant 0 : i32
    %dma_start3A_94 = tpu.memref_slice %arg8[%dma_start3A_91, %dma_start3A_92, %dma_start3A_93] : memref<32x16x16xf32, #tpu.memory_space<vmem>> -> memref<1x16x16xf32, #tpu.memory_space<vmem>>
    %dma_start3A_95 = tpu.memref_squeeze %dma_start3A_94 : memref<1x16x16xf32, #tpu.memory_space<vmem>> -> memref<16x16xf32, #tpu.memory_space<vmem>>
    %dma_start3A_96 = arith.constant 80 : i32
    %dma_start3A_97 = tpu.memref_slice %arg5[%mul3A_90, %dma_start3A_96] : memref<512x512xf32, #tpu.memory_space<hbm>> -> memref<16x16xf32, #tpu.memory_space<hbm>>
    %dma_start3A_98 = arith.constant 80 : i32
    %dma_start3A_99 = tpu.memref_slice %arg5[%mul3A_90, %dma_start3A_98] : memref<512x512xf32, #tpu.memory_space<hbm>> -> memref<16x16xf32, #tpu.memory_space<hbm>>
    %dma_start3A_100 = arith.constant 0 : i32
    %dma_start3A_101 = arith.constant 0 : i32
    %dma_start3A_102 = tpu.memref_slice %arg8[%dma_start3A_91, %dma_start3A_100, %dma_start3A_101] : memref<32x16x16xf32, #tpu.memory_space<vmem>> -> memref<1x16x16xf32, #tpu.memory_space<vmem>>
    %dma_start3A_103 = tpu.memref_squeeze %dma_start3A_102 : memref<1x16x16xf32, #tpu.memory_space<vmem>> -> memref<16x16xf32, #tpu.memory_space<vmem>>
    tpu.enqueue_dma source(%dma_start3A_103 : memref<16x16xf32, #tpu.memory_space<vmem>>) target(%dma_start3A_99 : memref<16x16xf32, #tpu.memory_space<hbm>>) target_semaphore(%arg10 : memref<!tpu.dma_semaphore, #tpu.memory_space<semaphore_mem>>)
    %mul3A_104 = arith.constant 16 : i32
    %mul3A_105 = arith.muli %add3A, %mul3A_104 : i32
    %dma_start3A_106 = arith.constant 6 : i32
    %dma_start3A_107 = arith.constant 0 : i32
    %dma_start3A_108 = arith.constant 0 : i32
    %dma_start3A_109 = tpu.memref_slice %arg8[%dma_start3A_106, %dma_start3A_107, %dma_start3A_108] : memref<32x16x16xf32, #tpu.memory_space<vmem>> -> memref<1x16x16xf32, #tpu.memory_space<vmem>>
    %dma_start3A_110 = tpu.memref_squeeze %dma_start3A_109 : memref<1x16x16xf32, #tpu.memory_space<vmem>> -> memref<16x16xf32, #tpu.memory_space<vmem>>
    %dma_start3A_111 = arith.constant 96 : i32
    %dma_start3A_112 = tpu.memref_slice %arg5[%mul3A_105, %dma_start3A_111] : memref<512x512xf32, #tpu.memory_space<hbm>> -> memref<16x16xf32, #tpu.memory_space<hbm>>
    %dma_start3A_113 = arith.constant 96 : i32
    %dma_start3A_114 = tpu.memref_slice %arg5[%mul3A_105, %dma_start3A_113] : memref<512x512xf32, #tpu.memory_space<hbm>> -> memref<16x16xf32, #tpu.memory_space<hbm>>
    %dma_start3A_115 = arith.constant 0 : i32
    %dma_start3A_116 = arith.constant 0 : i32
    %dma_start3A_117 = tpu.memref_slice %arg8[%dma_start3A_106, %dma_start3A_115, %dma_start3A_116] : memref<32x16x16xf32, #tpu.memory_space<vmem>> -> memref<1x16x16xf32, #tpu.memory_space<vmem>>
    %dma_start3A_118 = tpu.memref_squeeze %dma_start3A_117 : memref<1x16x16xf32, #tpu.memory_space<vmem>> -> memref<16x16xf32, #tpu.memory_space<vmem>>
    tpu.enqueue_dma source(%dma_start3A_118 : memref<16x16xf32, #tpu.memory_space<vmem>>) target(%dma_start3A_114 : memref<16x16xf32, #tpu.memory_space<hbm>>) target_semaphore(%arg10 : memref<!tpu.dma_semaphore, #tpu.memory_space<semaphore_mem>>)
    %mul3A_119 = arith.constant 16 : i32
    %mul3A_120 = arith.muli %add3A, %mul3A_119 : i32
    %dma_start3A_121 = arith.constant 7 : i32
    %dma_start3A_122 = arith.constant 0 : i32
    %dma_start3A_123 = arith.constant 0 : i32
    %dma_start3A_124 = tpu.memref_slice %arg8[%dma_start3A_121, %dma_start3A_122, %dma_start3A_123] : memref<32x16x16xf32, #tpu.memory_space<vmem>> -> memref<1x16x16xf32, #tpu.memory_space<vmem>>
    %dma_start3A_125 = tpu.memref_squeeze %dma_start3A_124 : memref<1x16x16xf32, #tpu.memory_space<vmem>> -> memref<16x16xf32, #tpu.memory_space<vmem>>
    %dma_start3A_126 = arith.constant 112 : i32
    %dma_start3A_127 = tpu.memref_slice %arg5[%mul3A_120, %dma_start3A_126] : memref<512x512xf32, #tpu.memory_space<hbm>> -> memref<16x16xf32, #tpu.memory_space<hbm>>
    %dma_start3A_128 = arith.constant 112 : i32
    %dma_start3A_129 = tpu.memref_slice %arg5[%mul3A_120, %dma_start3A_128] : memref<512x512xf32, #tpu.memory_space<hbm>> -> memref<16x16xf32, #tpu.memory_space<hbm>>
    %dma_start3A_130 = arith.constant 0 : i32
    %dma_start3A_131 = arith.constant 0 : i32
    %dma_start3A_132 = tpu.memref_slice %arg8[%dma_start3A_121, %dma_start3A_130, %dma_start3A_131] : memref<32x16x16xf32, #tpu.memory_space<vmem>> -> memref<1x16x16xf32, #tpu.memory_space<vmem>>
    %dma_start3A_133 = tpu.memref_squeeze %dma_start3A_132 : memref<1x16x16xf32, #tpu.memory_space<vmem>> -> memref<16x16xf32, #tpu.memory_space<vmem>>
    tpu.enqueue_dma source(%dma_start3A_133 : memref<16x16xf32, #tpu.memory_space<vmem>>) target(%dma_start3A_129 : memref<16x16xf32, #tpu.memory_space<hbm>>) target_semaphore(%arg10 : memref<!tpu.dma_semaphore, #tpu.memory_space<semaphore_mem>>)
    %mul3A_134 = arith.constant 16 : i32
    %mul3A_135 = arith.muli %add3A, %mul3A_134 : i32
    %dma_start3A_136 = arith.constant 8 : i32
    %dma_start3A_137 = arith.constant 0 : i32
    %dma_start3A_138 = arith.constant 0 : i32
    %dma_start3A_139 = tpu.memref_slice %arg8[%dma_start3A_136, %dma_start3A_137, %dma_start3A_138] : memref<32x16x16xf32, #tpu.memory_space<vmem>> -> memref<1x16x16xf32, #tpu.memory_space<vmem>>
    %dma_start3A_140 = tpu.memref_squeeze %dma_start3A_139 : memref<1x16x16xf32, #tpu.memory_space<vmem>> -> memref<16x16xf32, #tpu.memory_space<vmem>>
    %dma_start3A_141 = arith.constant 128 : i32
    %dma_start3A_142 = tpu.memref_slice %arg5[%mul3A_135, %dma_start3A_141] : memref<512x512xf32, #tpu.memory_space<hbm>> -> memref<16x16xf32, #tpu.memory_space<hbm>>
    %dma_start3A_143 = arith.constant 128 : i32
    %dma_start3A_144 = tpu.memref_slice %arg5[%mul3A_135, %dma_start3A_143] : memref<512x512xf32, #tpu.memory_space<hbm>> -> memref<16x16xf32, #tpu.memory_space<hbm>>
    %dma_start3A_145 = arith.constant 0 : i32
    %dma_start3A_146 = arith.constant 0 : i32
    %dma_start3A_147 = tpu.memref_slice %arg8[%dma_start3A_136, %dma_start3A_145, %dma_start3A_146] : memref<32x16x16xf32, #tpu.memory_space<vmem>> -> memref<1x16x16xf32, #tpu.memory_space<vmem>>
    %dma_start3A_148 = tpu.memref_squeeze %dma_start3A_147 : memref<1x16x16xf32, #tpu.memory_space<vmem>> -> memref<16x16xf32, #tpu.memory_space<vmem>>
    tpu.enqueue_dma source(%dma_start3A_148 : memref<16x16xf32, #tpu.memory_space<vmem>>) target(%dma_start3A_144 : memref<16x16xf32, #tpu.memory_space<hbm>>) target_semaphore(%arg10 : memref<!tpu.dma_semaphore, #tpu.memory_space<semaphore_mem>>)
    %mul3A_149 = arith.constant 16 : i32
    %mul3A_150 = arith.muli %add3A, %mul3A_149 : i32
    %dma_start3A_151 = arith.constant 9 : i32
    %dma_start3A_152 = arith.constant 0 : i32
    %dma_start3A_153 = arith.constant 0 : i32
    %dma_start3A_154 = tpu.memref_slice %arg8[%dma_start3A_151, %dma_start3A_152, %dma_start3A_153] : memref<32x16x16xf32, #tpu.memory_space<vmem>> -> memref<1x16x16xf32, #tpu.memory_space<vmem>>
    %dma_start3A_155 = tpu.memref_squeeze %dma_start3A_154 : memref<1x16x16xf32, #tpu.memory_space<vmem>> -> memref<16x16xf32, #tpu.memory_space<vmem>>
    %dma_start3A_156 = arith.constant 144 : i32
    %dma_start3A_157 = tpu.memref_slice %arg5[%mul3A_150, %dma_start3A_156] : memref<512x512xf32, #tpu.memory_space<hbm>> -> memref<16x16xf32, #tpu.memory_space<hbm>>
    %dma_start3A_158 = arith.constant 144 : i32
    %dma_start3A_159 = tpu.memref_slice %arg5[%mul3A_150, %dma_start3A_158] : memref<512x512xf32, #tpu.memory_space<hbm>> -> memref<16x16xf32, #tpu.memory_space<hbm>>
    %dma_start3A_160 = arith.constant 0 : i32
    %dma_start3A_161 = arith.constant 0 : i32
    %dma_start3A_162 = tpu.memref_slice %arg8[%dma_start3A_151, %dma_start3A_160, %dma_start3A_161] : memref<32x16x16xf32, #tpu.memory_space<vmem>> -> memref<1x16x16xf32, #tpu.memory_space<vmem>>
    %dma_start3A_163 = tpu.memref_squeeze %dma_start3A_162 : memref<1x16x16xf32, #tpu.memory_space<vmem>> -> memref<16x16xf32, #tpu.memory_space<vmem>>
    tpu.enqueue_dma source(%dma_start3A_163 : memref<16x16xf32, #tpu.memory_space<vmem>>) target(%dma_start3A_159 : memref<16x16xf32, #tpu.memory_space<hbm>>) target_semaphore(%arg10 : memref<!tpu.dma_semaphore, #tpu.memory_space<semaphore_mem>>)
    %mul3A_164 = arith.constant 16 : i32
    %mul3A_165 = arith.muli %add3A, %mul3A_164 : i32
    %dma_start3A_166 = arith.constant 10 : i32
    %dma_start3A_167 = arith.constant 0 : i32
    %dma_start3A_168 = arith.constant 0 : i32
    %dma_start3A_169 = tpu.memref_slice %arg8[%dma_start3A_166, %dma_start3A_167, %dma_start3A_168] : memref<32x16x16xf32, #tpu.memory_space<vmem>> -> memref<1x16x16xf32, #tpu.memory_space<vmem>>
    %dma_start3A_170 = tpu.memref_squeeze %dma_start3A_169 : memref<1x16x16xf32, #tpu.memory_space<vmem>> -> memref<16x16xf32, #tpu.memory_space<vmem>>
    %dma_start3A_171 = arith.constant 160 : i32
    %dma_start3A_172 = tpu.memref_slice %arg5[%mul3A_165, %dma_start3A_171] : memref<512x512xf32, #tpu.memory_space<hbm>> -> memref<16x16xf32, #tpu.memory_space<hbm>>
    %dma_start3A_173 = arith.constant 160 : i32
    %dma_start3A_174 = tpu.memref_slice %arg5[%mul3A_165, %dma_start3A_173] : memref<512x512xf32, #tpu.memory_space<hbm>> -> memref<16x16xf32, #tpu.memory_space<hbm>>
    %dma_start3A_175 = arith.constant 0 : i32
    %dma_start3A_176 = arith.constant 0 : i32
    %dma_start3A_177 = tpu.memref_slice %arg8[%dma_start3A_166, %dma_start3A_175, %dma_start3A_176] : memref<32x16x16xf32, #tpu.memory_space<vmem>> -> memref<1x16x16xf32, #tpu.memory_space<vmem>>
    %dma_start3A_178 = tpu.memref_squeeze %dma_start3A_177 : memref<1x16x16xf32, #tpu.memory_space<vmem>> -> memref<16x16xf32, #tpu.memory_space<vmem>>
    tpu.enqueue_dma source(%dma_start3A_178 : memref<16x16xf32, #tpu.memory_space<vmem>>) target(%dma_start3A_174 : memref<16x16xf32, #tpu.memory_space<hbm>>) target_semaphore(%arg10 : memref<!tpu.dma_semaphore, #tpu.memory_space<semaphore_mem>>)
    %mul3A_179 = arith.constant 16 : i32
    %mul3A_180 = arith.muli %add3A, %mul3A_179 : i32
    %dma_start3A_181 = arith.constant 11 : i32
    %dma_start3A_182 = arith.constant 0 : i32
    %dma_start3A_183 = arith.constant 0 : i32
    %dma_start3A_184 = tpu.memref_slice %arg8[%dma_start3A_181, %dma_start3A_182, %dma_start3A_183] : memref<32x16x16xf32, #tpu.memory_space<vmem>> -> memref<1x16x16xf32, #tpu.memory_space<vmem>>
    %dma_start3A_185 = tpu.memref_squeeze %dma_start3A_184 : memref<1x16x16xf32, #tpu.memory_space<vmem>> -> memref<16x16xf32, #tpu.memory_space<vmem>>
    %dma_start3A_186 = arith.constant 176 : i32
    %dma_start3A_187 = tpu.memref_slice %arg5[%mul3A_180, %dma_start3A_186] : memref<512x512xf32, #tpu.memory_space<hbm>> -> memref<16x16xf32, #tpu.memory_space<hbm>>
    %dma_start3A_188 = arith.constant 176 : i32
    %dma_start3A_189 = tpu.memref_slice %arg5[%mul3A_180, %dma_start3A_188] : memref<512x512xf32, #tpu.memory_space<hbm>> -> memref<16x16xf32, #tpu.memory_space<hbm>>
    %dma_start3A_190 = arith.constant 0 : i32
    %dma_start3A_191 = arith.constant 0 : i32
    %dma_start3A_192 = tpu.memref_slice %arg8[%dma_start3A_181, %dma_start3A_190, %dma_start3A_191] : memref<32x16x16xf32, #tpu.memory_space<vmem>> -> memref<1x16x16xf32, #tpu.memory_space<vmem>>
    %dma_start3A_193 = tpu.memref_squeeze %dma_start3A_192 : memref<1x16x16xf32, #tpu.memory_space<vmem>> -> memref<16x16xf32, #tpu.memory_space<vmem>>
    tpu.enqueue_dma source(%dma_start3A_193 : memref<16x16xf32, #tpu.memory_space<vmem>>) target(%dma_start3A_189 : memref<16x16xf32, #tpu.memory_space<hbm>>) target_semaphore(%arg10 : memref<!tpu.dma_semaphore, #tpu.memory_space<semaphore_mem>>)
    %mul3A_194 = arith.constant 16 : i32
    %mul3A_195 = arith.muli %add3A, %mul3A_194 : i32
    %dma_start3A_196 = arith.constant 12 : i32
    %dma_start3A_197 = arith.constant 0 : i32
    %dma_start3A_198 = arith.constant 0 : i32
    %dma_start3A_199 = tpu.memref_slice %arg8[%dma_start3A_196, %dma_start3A_197, %dma_start3A_198] : memref<32x16x16xf32, #tpu.memory_space<vmem>> -> memref<1x16x16xf32, #tpu.memory_space<vmem>>
    %dma_start3A_200 = tpu.memref_squeeze %dma_start3A_199 : memref<1x16x16xf32, #tpu.memory_space<vmem>> -> memref<16x16xf32, #tpu.memory_space<vmem>>
    %dma_start3A_201 = arith.constant 192 : i32
    %dma_start3A_202 = tpu.memref_slice %arg5[%mul3A_195, %dma_start3A_201] : memref<512x512xf32, #tpu.memory_space<hbm>> -> memref<16x16xf32, #tpu.memory_space<hbm>>
    %dma_start3A_203 = arith.constant 192 : i32
    %dma_start3A_204 = tpu.memref_slice %arg5[%mul3A_195, %dma_start3A_203] : memref<512x512xf32, #tpu.memory_space<hbm>> -> memref<16x16xf32, #tpu.memory_space<hbm>>
    %dma_start3A_205 = arith.constant 0 : i32
    %dma_start3A_206 = arith.constant 0 : i32
    %dma_start3A_207 = tpu.memref_slice %arg8[%dma_start3A_196, %dma_start3A_205, %dma_start3A_206] : memref<32x16x16xf32, #tpu.memory_space<vmem>> -> memref<1x16x16xf32, #tpu.memory_space<vmem>>
    %dma_start3A_208 = tpu.memref_squeeze %dma_start3A_207 : memref<1x16x16xf32, #tpu.memory_space<vmem>> -> memref<16x16xf32, #tpu.memory_space<vmem>>
    tpu.enqueue_dma source(%dma_start3A_208 : memref<16x16xf32, #tpu.memory_space<vmem>>) target(%dma_start3A_204 : memref<16x16xf32, #tpu.memory_space<hbm>>) target_semaphore(%arg10 : memref<!tpu.dma_semaphore, #tpu.memory_space<semaphore_mem>>)
    %mul3A_209 = arith.constant 16 : i32
    %mul3A_210 = arith.muli %add3A, %mul3A_209 : i32
    %dma_start3A_211 = arith.constant 13 : i32
    %dma_start3A_212 = arith.constant 0 : i32
    %dma_start3A_213 = arith.constant 0 : i32
    %dma_start3A_214 = tpu.memref_slice %arg8[%dma_start3A_211, %dma_start3A_212, %dma_start3A_213] : memref<32x16x16xf32, #tpu.memory_space<vmem>> -> memref<1x16x16xf32, #tpu.memory_space<vmem>>
    %dma_start3A_215 = tpu.memref_squeeze %dma_start3A_214 : memref<1x16x16xf32, #tpu.memory_space<vmem>> -> memref<16x16xf32, #tpu.memory_space<vmem>>
    %dma_start3A_216 = arith.constant 208 : i32
    %dma_start3A_217 = tpu.memref_slice %arg5[%mul3A_210, %dma_start3A_216] : memref<512x512xf32, #tpu.memory_space<hbm>> -> memref<16x16xf32, #tpu.memory_space<hbm>>
    %dma_start3A_218 = arith.constant 208 : i32
    %dma_start3A_219 = tpu.memref_slice %arg5[%mul3A_210, %dma_start3A_218] : memref<512x512xf32, #tpu.memory_space<hbm>> -> memref<16x16xf32, #tpu.memory_space<hbm>>
    %dma_start3A_220 = arith.constant 0 : i32
    %dma_start3A_221 = arith.constant 0 : i32
    %dma_start3A_222 = tpu.memref_slice %arg8[%dma_start3A_211, %dma_start3A_220, %dma_start3A_221] : memref<32x16x16xf32, #tpu.memory_space<vmem>> -> memref<1x16x16xf32, #tpu.memory_space<vmem>>
    %dma_start3A_223 = tpu.memref_squeeze %dma_start3A_222 : memref<1x16x16xf32, #tpu.memory_space<vmem>> -> memref<16x16xf32, #tpu.memory_space<vmem>>
    tpu.enqueue_dma source(%dma_start3A_223 : memref<16x16xf32, #tpu.memory_space<vmem>>) target(%dma_start3A_219 : memref<16x16xf32, #tpu.memory_space<hbm>>) target_semaphore(%arg10 : memref<!tpu.dma_semaphore, #tpu.memory_space<semaphore_mem>>)
    %mul3A_224 = arith.constant 16 : i32
    %mul3A_225 = arith.muli %add3A, %mul3A_224 : i32
    %dma_start3A_226 = arith.constant 14 : i32
    %dma_start3A_227 = arith.constant 0 : i32
    %dma_start3A_228 = arith.constant 0 : i32
    %dma_start3A_229 = tpu.memref_slice %arg8[%dma_start3A_226, %dma_start3A_227, %dma_start3A_228] : memref<32x16x16xf32, #tpu.memory_space<vmem>> -> memref<1x16x16xf32, #tpu.memory_space<vmem>>
    %dma_start3A_230 = tpu.memref_squeeze %dma_start3A_229 : memref<1x16x16xf32, #tpu.memory_space<vmem>> -> memref<16x16xf32, #tpu.memory_space<vmem>>
    %dma_start3A_231 = arith.constant 224 : i32
    %dma_start3A_232 = tpu.memref_slice %arg5[%mul3A_225, %dma_start3A_231] : memref<512x512xf32, #tpu.memory_space<hbm>> -> memref<16x16xf32, #tpu.memory_space<hbm>>
    %dma_start3A_233 = arith.constant 224 : i32
    %dma_start3A_234 = tpu.memref_slice %arg5[%mul3A_225, %dma_start3A_233] : memref<512x512xf32, #tpu.memory_space<hbm>> -> memref<16x16xf32, #tpu.memory_space<hbm>>
    %dma_start3A_235 = arith.constant 0 : i32
    %dma_start3A_236 = arith.constant 0 : i32
    %dma_start3A_237 = tpu.memref_slice %arg8[%dma_start3A_226, %dma_start3A_235, %dma_start3A_236] : memref<32x16x16xf32, #tpu.memory_space<vmem>> -> memref<1x16x16xf32, #tpu.memory_space<vmem>>
    %dma_start3A_238 = tpu.memref_squeeze %dma_start3A_237 : memref<1x16x16xf32, #tpu.memory_space<vmem>> -> memref<16x16xf32, #tpu.memory_space<vmem>>
    tpu.enqueue_dma source(%dma_start3A_238 : memref<16x16xf32, #tpu.memory_space<vmem>>) target(%dma_start3A_234 : memref<16x16xf32, #tpu.memory_space<hbm>>) target_semaphore(%arg10 : memref<!tpu.dma_semaphore, #tpu.memory_space<semaphore_mem>>)
    %mul3A_239 = arith.constant 16 : i32
    %mul3A_240 = arith.muli %add3A, %mul3A_239 : i32
    %dma_start3A_241 = arith.constant 15 : i32
    %dma_start3A_242 = arith.constant 0 : i32
    %dma_start3A_243 = arith.constant 0 : i32
    %dma_start3A_244 = tpu.memref_slice %arg8[%dma_start3A_241, %dma_start3A_242, %dma_start3A_243] : memref<32x16x16xf32, #tpu.memory_space<vmem>> -> memref<1x16x16xf32, #tpu.memory_space<vmem>>
    %dma_start3A_245 = tpu.memref_squeeze %dma_start3A_244 : memref<1x16x16xf32, #tpu.memory_space<vmem>> -> memref<16x16xf32, #tpu.memory_space<vmem>>
    %dma_start3A_246 = arith.constant 240 : i32
    %dma_start3A_247 = tpu.memref_slice %arg5[%mul3A_240, %dma_start3A_246] : memref<512x512xf32, #tpu.memory_space<hbm>> -> memref<16x16xf32, #tpu.memory_space<hbm>>
    %dma_start3A_248 = arith.constant 240 : i32
    %dma_start3A_249 = tpu.memref_slice %arg5[%mul3A_240, %dma_start3A_248] : memref<512x512xf32, #tpu.memory_space<hbm>> -> memref<16x16xf32, #tpu.memory_space<hbm>>
    %dma_start3A_250 = arith.constant 0 : i32
    %dma_start3A_251 = arith.constant 0 : i32
    %dma_start3A_252 = tpu.memref_slice %arg8[%dma_start3A_241, %dma_start3A_250, %dma_start3A_251] : memref<32x16x16xf32, #tpu.memory_space<vmem>> -> memref<1x16x16xf32, #tpu.memory_space<vmem>>
    %dma_start3A_253 = tpu.memref_squeeze %dma_start3A_252 : memref<1x16x16xf32, #tpu.memory_space<vmem>> -> memref<16x16xf32, #tpu.memory_space<vmem>>
    tpu.enqueue_dma source(%dma_start3A_253 : memref<16x16xf32, #tpu.memory_space<vmem>>) target(%dma_start3A_249 : memref<16x16xf32, #tpu.memory_space<hbm>>) target_semaphore(%arg10 : memref<!tpu.dma_semaphore, #tpu.memory_space<semaphore_mem>>)
    %mul3A_254 = arith.constant 16 : i32
    %mul3A_255 = arith.muli %add3A, %mul3A_254 : i32
    %dma_start3A_256 = arith.constant 16 : i32
    %dma_start3A_257 = arith.constant 0 : i32
    %dma_start3A_258 = arith.constant 0 : i32
    %dma_start3A_259 = tpu.memref_slice %arg8[%dma_start3A_256, %dma_start3A_257, %dma_start3A_258] : memref<32x16x16xf32, #tpu.memory_space<vmem>> -> memref<1x16x16xf32, #tpu.memory_space<vmem>>
    %dma_start3A_260 = tpu.memref_squeeze %dma_start3A_259 : memref<1x16x16xf32, #tpu.memory_space<vmem>> -> memref<16x16xf32, #tpu.memory_space<vmem>>
    %dma_start3A_261 = arith.constant 256 : i32
    %dma_start3A_262 = tpu.memref_slice %arg5[%mul3A_255, %dma_start3A_261] : memref<512x512xf32, #tpu.memory_space<hbm>> -> memref<16x16xf32, #tpu.memory_space<hbm>>
    %dma_start3A_263 = arith.constant 256 : i32
    %dma_start3A_264 = tpu.memref_slice %arg5[%mul3A_255, %dma_start3A_263] : memref<512x512xf32, #tpu.memory_space<hbm>> -> memref<16x16xf32, #tpu.memory_space<hbm>>
    %dma_start3A_265 = arith.constant 0 : i32
    %dma_start3A_266 = arith.constant 0 : i32
    %dma_start3A_267 = tpu.memref_slice %arg8[%dma_start3A_256, %dma_start3A_265, %dma_start3A_266] : memref<32x16x16xf32, #tpu.memory_space<vmem>> -> memref<1x16x16xf32, #tpu.memory_space<vmem>>
    %dma_start3A_268 = tpu.memref_squeeze %dma_start3A_267 : memref<1x16x16xf32, #tpu.memory_space<vmem>> -> memref<16x16xf32, #tpu.memory_space<vmem>>
    tpu.enqueue_dma source(%dma_start3A_268 : memref<16x16xf32, #tpu.memory_space<vmem>>) target(%dma_start3A_264 : memref<16x16xf32, #tpu.memory_space<hbm>>) target_semaphore(%arg10 : memref<!tpu.dma_semaphore, #tpu.memory_space<semaphore_mem>>)
    %mul3A_269 = arith.constant 16 : i32
    %mul3A_270 = arith.muli %add3A, %mul3A_269 : i32
    %dma_start3A_271 = arith.constant 17 : i32
    %dma_start3A_272 = arith.constant 0 : i32
    %dma_start3A_273 = arith.constant 0 : i32
    %dma_start3A_274 = tpu.memref_slice %arg8[%dma_start3A_271, %dma_start3A_272, %dma_start3A_273] : memref<32x16x16xf32, #tpu.memory_space<vmem>> -> memref<1x16x16xf32, #tpu.memory_space<vmem>>
    %dma_start3A_275 = tpu.memref_squeeze %dma_start3A_274 : memref<1x16x16xf32, #tpu.memory_space<vmem>> -> memref<16x16xf32, #tpu.memory_space<vmem>>
    %dma_start3A_276 = arith.constant 272 : i32
    %dma_start3A_277 = tpu.memref_slice %arg5[%mul3A_270, %dma_start3A_276] : memref<512x512xf32, #tpu.memory_space<hbm>> -> memref<16x16xf32, #tpu.memory_space<hbm>>
    %dma_start3A_278 = arith.constant 272 : i32
    %dma_start3A_279 = tpu.memref_slice %arg5[%mul3A_270, %dma_start3A_278] : memref<512x512xf32, #tpu.memory_space<hbm>> -> memref<16x16xf32, #tpu.memory_space<hbm>>
    %dma_start3A_280 = arith.constant 0 : i32
    %dma_start3A_281 = arith.constant 0 : i32
    %dma_start3A_282 = tpu.memref_slice %arg8[%dma_start3A_271, %dma_start3A_280, %dma_start3A_281] : memref<32x16x16xf32, #tpu.memory_space<vmem>> -> memref<1x16x16xf32, #tpu.memory_space<vmem>>
    %dma_start3A_283 = tpu.memref_squeeze %dma_start3A_282 : memref<1x16x16xf32, #tpu.memory_space<vmem>> -> memref<16x16xf32, #tpu.memory_space<vmem>>
    tpu.enqueue_dma source(%dma_start3A_283 : memref<16x16xf32, #tpu.memory_space<vmem>>) target(%dma_start3A_279 : memref<16x16xf32, #tpu.memory_space<hbm>>) target_semaphore(%arg10 : memref<!tpu.dma_semaphore, #tpu.memory_space<semaphore_mem>>)
    %mul3A_284 = arith.constant 16 : i32
    %mul3A_285 = arith.muli %add3A, %mul3A_284 : i32
    %dma_start3A_286 = arith.constant 18 : i32
    %dma_start3A_287 = arith.constant 0 : i32
    %dma_start3A_288 = arith.constant 0 : i32
    %dma_start3A_289 = tpu.memref_slice %arg8[%dma_start3A_286, %dma_start3A_287, %dma_start3A_288] : memref<32x16x16xf32, #tpu.memory_space<vmem>> -> memref<1x16x16xf32, #tpu.memory_space<vmem>>
    %dma_start3A_290 = tpu.memref_squeeze %dma_start3A_289 : memref<1x16x16xf32, #tpu.memory_space<vmem>> -> memref<16x16xf32, #tpu.memory_space<vmem>>
    %dma_start3A_291 = arith.constant 288 : i32
    %dma_start3A_292 = tpu.memref_slice %arg5[%mul3A_285, %dma_start3A_291] : memref<512x512xf32, #tpu.memory_space<hbm>> -> memref<16x16xf32, #tpu.memory_space<hbm>>
    %dma_start3A_293 = arith.constant 288 : i32
    %dma_start3A_294 = tpu.memref_slice %arg5[%mul3A_285, %dma_start3A_293] : memref<512x512xf32, #tpu.memory_space<hbm>> -> memref<16x16xf32, #tpu.memory_space<hbm>>
    %dma_start3A_295 = arith.constant 0 : i32
    %dma_start3A_296 = arith.constant 0 : i32
    %dma_start3A_297 = tpu.memref_slice %arg8[%dma_start3A_286, %dma_start3A_295, %dma_start3A_296] : memref<32x16x16xf32, #tpu.memory_space<vmem>> -> memref<1x16x16xf32, #tpu.memory_space<vmem>>
    %dma_start3A_298 = tpu.memref_squeeze %dma_start3A_297 : memref<1x16x16xf32, #tpu.memory_space<vmem>> -> memref<16x16xf32, #tpu.memory_space<vmem>>
    tpu.enqueue_dma source(%dma_start3A_298 : memref<16x16xf32, #tpu.memory_space<vmem>>) target(%dma_start3A_294 : memref<16x16xf32, #tpu.memory_space<hbm>>) target_semaphore(%arg10 : memref<!tpu.dma_semaphore, #tpu.memory_space<semaphore_mem>>)
    %mul3A_299 = arith.constant 16 : i32
    %mul3A_300 = arith.muli %add3A, %mul3A_299 : i32
    %dma_start3A_301 = arith.constant 19 : i32
    %dma_start3A_302 = arith.constant 0 : i32
    %dma_start3A_303 = arith.constant 0 : i32
    %dma_start3A_304 = tpu.memref_slice %arg8[%dma_start3A_301, %dma_start3A_302, %dma_start3A_303] : memref<32x16x16xf32, #tpu.memory_space<vmem>> -> memref<1x16x16xf32, #tpu.memory_space<vmem>>
    %dma_start3A_305 = tpu.memref_squeeze %dma_start3A_304 : memref<1x16x16xf32, #tpu.memory_space<vmem>> -> memref<16x16xf32, #tpu.memory_space<vmem>>
    %dma_start3A_306 = arith.constant 304 : i32
    %dma_start3A_307 = tpu.memref_slice %arg5[%mul3A_300, %dma_start3A_306] : memref<512x512xf32, #tpu.memory_space<hbm>> -> memref<16x16xf32, #tpu.memory_space<hbm>>
    %dma_start3A_308 = arith.constant 304 : i32
    %dma_start3A_309 = tpu.memref_slice %arg5[%mul3A_300, %dma_start3A_308] : memref<512x512xf32, #tpu.memory_space<hbm>> -> memref<16x16xf32, #tpu.memory_space<hbm>>
    %dma_start3A_310 = arith.constant 0 : i32
    %dma_start3A_311 = arith.constant 0 : i32
    %dma_start3A_312 = tpu.memref_slice %arg8[%dma_start3A_301, %dma_start3A_310, %dma_start3A_311] : memref<32x16x16xf32, #tpu.memory_space<vmem>> -> memref<1x16x16xf32, #tpu.memory_space<vmem>>
    %dma_start3A_313 = tpu.memref_squeeze %dma_start3A_312 : memref<1x16x16xf32, #tpu.memory_space<vmem>> -> memref<16x16xf32, #tpu.memory_space<vmem>>
    tpu.enqueue_dma source(%dma_start3A_313 : memref<16x16xf32, #tpu.memory_space<vmem>>) target(%dma_start3A_309 : memref<16x16xf32, #tpu.memory_space<hbm>>) target_semaphore(%arg10 : memref<!tpu.dma_semaphore, #tpu.memory_space<semaphore_mem>>)
    %mul3A_314 = arith.constant 16 : i32
    %mul3A_315 = arith.muli %add3A, %mul3A_314 : i32
    %dma_start3A_316 = arith.constant 20 : i32
    %dma_start3A_317 = arith.constant 0 : i32
    %dma_start3A_318 = arith.constant 0 : i32
    %dma_start3A_319 = tpu.memref_slice %arg8[%dma_start3A_316, %dma_start3A_317, %dma_start3A_318] : memref<32x16x16xf32, #tpu.memory_space<vmem>> -> memref<1x16x16xf32, #tpu.memory_space<vmem>>
    %dma_start3A_320 = tpu.memref_squeeze %dma_start3A_319 : memref<1x16x16xf32, #tpu.memory_space<vmem>> -> memref<16x16xf32, #tpu.memory_space<vmem>>
    %dma_start3A_321 = arith.constant 320 : i32
    %dma_start3A_322 = tpu.memref_slice %arg5[%mul3A_315, %dma_start3A_321] : memref<512x512xf32, #tpu.memory_space<hbm>> -> memref<16x16xf32, #tpu.memory_space<hbm>>
    %dma_start3A_323 = arith.constant 320 : i32
    %dma_start3A_324 = tpu.memref_slice %arg5[%mul3A_315, %dma_start3A_323] : memref<512x512xf32, #tpu.memory_space<hbm>> -> memref<16x16xf32, #tpu.memory_space<hbm>>
    %dma_start3A_325 = arith.constant 0 : i32
    %dma_start3A_326 = arith.constant 0 : i32
    %dma_start3A_327 = tpu.memref_slice %arg8[%dma_start3A_316, %dma_start3A_325, %dma_start3A_326] : memref<32x16x16xf32, #tpu.memory_space<vmem>> -> memref<1x16x16xf32, #tpu.memory_space<vmem>>
    %dma_start3A_328 = tpu.memref_squeeze %dma_start3A_327 : memref<1x16x16xf32, #tpu.memory_space<vmem>> -> memref<16x16xf32, #tpu.memory_space<vmem>>
    tpu.enqueue_dma source(%dma_start3A_328 : memref<16x16xf32, #tpu.memory_space<vmem>>) target(%dma_start3A_324 : memref<16x16xf32, #tpu.memory_space<hbm>>) target_semaphore(%arg10 : memref<!tpu.dma_semaphore, #tpu.memory_space<semaphore_mem>>)
    %mul3A_329 = arith.constant 16 : i32
    %mul3A_330 = arith.muli %add3A, %mul3A_329 : i32
    %dma_start3A_331 = arith.constant 21 : i32
    %dma_start3A_332 = arith.constant 0 : i32
    %dma_start3A_333 = arith.constant 0 : i32
    %dma_start3A_334 = tpu.memref_slice %arg8[%dma_start3A_331, %dma_start3A_332, %dma_start3A_333] : memref<32x16x16xf32, #tpu.memory_space<vmem>> -> memref<1x16x16xf32, #tpu.memory_space<vmem>>
    %dma_start3A_335 = tpu.memref_squeeze %dma_start3A_334 : memref<1x16x16xf32, #tpu.memory_space<vmem>> -> memref<16x16xf32, #tpu.memory_space<vmem>>
    %dma_start3A_336 = arith.constant 336 : i32
    %dma_start3A_337 = tpu.memref_slice %arg5[%mul3A_330, %dma_start3A_336] : memref<512x512xf32, #tpu.memory_space<hbm>> -> memref<16x16xf32, #tpu.memory_space<hbm>>
    %dma_start3A_338 = arith.constant 336 : i32
    %dma_start3A_339 = tpu.memref_slice %arg5[%mul3A_330, %dma_start3A_338] : memref<512x512xf32, #tpu.memory_space<hbm>> -> memref<16x16xf32, #tpu.memory_space<hbm>>
    %dma_start3A_340 = arith.constant 0 : i32
    %dma_start3A_341 = arith.constant 0 : i32
    %dma_start3A_342 = tpu.memref_slice %arg8[%dma_start3A_331, %dma_start3A_340, %dma_start3A_341] : memref<32x16x16xf32, #tpu.memory_space<vmem>> -> memref<1x16x16xf32, #tpu.memory_space<vmem>>
    %dma_start3A_343 = tpu.memref_squeeze %dma_start3A_342 : memref<1x16x16xf32, #tpu.memory_space<vmem>> -> memref<16x16xf32, #tpu.memory_space<vmem>>
    tpu.enqueue_dma source(%dma_start3A_343 : memref<16x16xf32, #tpu.memory_space<vmem>>) target(%dma_start3A_339 : memref<16x16xf32, #tpu.memory_space<hbm>>) target_semaphore(%arg10 : memref<!tpu.dma_semaphore, #tpu.memory_space<semaphore_mem>>)
    %mul3A_344 = arith.constant 16 : i32
    %mul3A_345 = arith.muli %add3A, %mul3A_344 : i32
    %dma_start3A_346 = arith.constant 22 : i32
    %dma_start3A_347 = arith.constant 0 : i32
    %dma_start3A_348 = arith.constant 0 : i32
    %dma_start3A_349 = tpu.memref_slice %arg8[%dma_start3A_346, %dma_start3A_347, %dma_start3A_348] : memref<32x16x16xf32, #tpu.memory_space<vmem>> -> memref<1x16x16xf32, #tpu.memory_space<vmem>>
    %dma_start3A_350 = tpu.memref_squeeze %dma_start3A_349 : memref<1x16x16xf32, #tpu.memory_space<vmem>> -> memref<16x16xf32, #tpu.memory_space<vmem>>
    %dma_start3A_351 = arith.constant 352 : i32
    %dma_start3A_352 = tpu.memref_slice %arg5[%mul3A_345, %dma_start3A_351] : memref<512x512xf32, #tpu.memory_space<hbm>> -> memref<16x16xf32, #tpu.memory_space<hbm>>
    %dma_start3A_353 = arith.constant 352 : i32
    %dma_start3A_354 = tpu.memref_slice %arg5[%mul3A_345, %dma_start3A_353] : memref<512x512xf32, #tpu.memory_space<hbm>> -> memref<16x16xf32, #tpu.memory_space<hbm>>
    %dma_start3A_355 = arith.constant 0 : i32
    %dma_start3A_356 = arith.constant 0 : i32
    %dma_start3A_357 = tpu.memref_slice %arg8[%dma_start3A_346, %dma_start3A_355, %dma_start3A_356] : memref<32x16x16xf32, #tpu.memory_space<vmem>> -> memref<1x16x16xf32, #tpu.memory_space<vmem>>
    %dma_start3A_358 = tpu.memref_squeeze %dma_start3A_357 : memref<1x16x16xf32, #tpu.memory_space<vmem>> -> memref<16x16xf32, #tpu.memory_space<vmem>>
    tpu.enqueue_dma source(%dma_start3A_358 : memref<16x16xf32, #tpu.memory_space<vmem>>) target(%dma_start3A_354 : memref<16x16xf32, #tpu.memory_space<hbm>>) target_semaphore(%arg10 : memref<!tpu.dma_semaphore, #tpu.memory_space<semaphore_mem>>)
    %mul3A_359 = arith.constant 16 : i32
    %mul3A_360 = arith.muli %add3A, %mul3A_359 : i32
    %dma_start3A_361 = arith.constant 23 : i32
    %dma_start3A_362 = arith.constant 0 : i32
    %dma_start3A_363 = arith.constant 0 : i32
    %dma_start3A_364 = tpu.memref_slice %arg8[%dma_start3A_361, %dma_start3A_362, %dma_start3A_363] : memref<32x16x16xf32, #tpu.memory_space<vmem>> -> memref<1x16x16xf32, #tpu.memory_space<vmem>>
    %dma_start3A_365 = tpu.memref_squeeze %dma_start3A_364 : memref<1x16x16xf32, #tpu.memory_space<vmem>> -> memref<16x16xf32, #tpu.memory_space<vmem>>
    %dma_start3A_366 = arith.constant 368 : i32
    %dma_start3A_367 = tpu.memref_slice %arg5[%mul3A_360, %dma_start3A_366] : memref<512x512xf32, #tpu.memory_space<hbm>> -> memref<16x16xf32, #tpu.memory_space<hbm>>
    %dma_start3A_368 = arith.constant 368 : i32
    %dma_start3A_369 = tpu.memref_slice %arg5[%mul3A_360, %dma_start3A_368] : memref<512x512xf32, #tpu.memory_space<hbm>> -> memref<16x16xf32, #tpu.memory_space<hbm>>
    %dma_start3A_370 = arith.constant 0 : i32
    %dma_start3A_371 = arith.constant 0 : i32
    %dma_start3A_372 = tpu.memref_slice %arg8[%dma_start3A_361, %dma_start3A_370, %dma_start3A_371] : memref<32x16x16xf32, #tpu.memory_space<vmem>> -> memref<1x16x16xf32, #tpu.memory_space<vmem>>
    %dma_start3A_373 = tpu.memref_squeeze %dma_start3A_372 : memref<1x16x16xf32, #tpu.memory_space<vmem>> -> memref<16x16xf32, #tpu.memory_space<vmem>>
    tpu.enqueue_dma source(%dma_start3A_373 : memref<16x16xf32, #tpu.memory_space<vmem>>) target(%dma_start3A_369 : memref<16x16xf32, #tpu.memory_space<hbm>>) target_semaphore(%arg10 : memref<!tpu.dma_semaphore, #tpu.memory_space<semaphore_mem>>)
    %mul3A_374 = arith.constant 16 : i32
    %mul3A_375 = arith.muli %add3A, %mul3A_374 : i32
    %dma_start3A_376 = arith.constant 24 : i32
    %dma_start3A_377 = arith.constant 0 : i32
    %dma_start3A_378 = arith.constant 0 : i32
    %dma_start3A_379 = tpu.memref_slice %arg8[%dma_start3A_376, %dma_start3A_377, %dma_start3A_378] : memref<32x16x16xf32, #tpu.memory_space<vmem>> -> memref<1x16x16xf32, #tpu.memory_space<vmem>>
    %dma_start3A_380 = tpu.memref_squeeze %dma_start3A_379 : memref<1x16x16xf32, #tpu.memory_space<vmem>> -> memref<16x16xf32, #tpu.memory_space<vmem>>
    %dma_start3A_381 = arith.constant 384 : i32
    %dma_start3A_382 = tpu.memref_slice %arg5[%mul3A_375, %dma_start3A_381] : memref<512x512xf32, #tpu.memory_space<hbm>> -> memref<16x16xf32, #tpu.memory_space<hbm>>
    %dma_start3A_383 = arith.constant 384 : i32
    %dma_start3A_384 = tpu.memref_slice %arg5[%mul3A_375, %dma_start3A_383] : memref<512x512xf32, #tpu.memory_space<hbm>> -> memref<16x16xf32, #tpu.memory_space<hbm>>
    %dma_start3A_385 = arith.constant 0 : i32
    %dma_start3A_386 = arith.constant 0 : i32
    %dma_start3A_387 = tpu.memref_slice %arg8[%dma_start3A_376, %dma_start3A_385, %dma_start3A_386] : memref<32x16x16xf32, #tpu.memory_space<vmem>> -> memref<1x16x16xf32, #tpu.memory_space<vmem>>
    %dma_start3A_388 = tpu.memref_squeeze %dma_start3A_387 : memref<1x16x16xf32, #tpu.memory_space<vmem>> -> memref<16x16xf32, #tpu.memory_space<vmem>>
    tpu.enqueue_dma source(%dma_start3A_388 : memref<16x16xf32, #tpu.memory_space<vmem>>) target(%dma_start3A_384 : memref<16x16xf32, #tpu.memory_space<hbm>>) target_semaphore(%arg10 : memref<!tpu.dma_semaphore, #tpu.memory_space<semaphore_mem>>)
    %mul3A_389 = arith.constant 16 : i32
    %mul3A_390 = arith.muli %add3A, %mul3A_389 : i32
    %dma_start3A_391 = arith.constant 25 : i32
    %dma_start3A_392 = arith.constant 0 : i32
    %dma_start3A_393 = arith.constant 0 : i32
    %dma_start3A_394 = tpu.memref_slice %arg8[%dma_start3A_391, %dma_start3A_392, %dma_start3A_393] : memref<32x16x16xf32, #tpu.memory_space<vmem>> -> memref<1x16x16xf32, #tpu.memory_space<vmem>>
    %dma_start3A_395 = tpu.memref_squeeze %dma_start3A_394 : memref<1x16x16xf32, #tpu.memory_space<vmem>> -> memref<16x16xf32, #tpu.memory_space<vmem>>
    %dma_start3A_396 = arith.constant 400 : i32
    %dma_start3A_397 = tpu.memref_slice %arg5[%mul3A_390, %dma_start3A_396] : memref<512x512xf32, #tpu.memory_space<hbm>> -> memref<16x16xf32, #tpu.memory_space<hbm>>
    %dma_start3A_398 = arith.constant 400 : i32
    %dma_start3A_399 = tpu.memref_slice %arg5[%mul3A_390, %dma_start3A_398] : memref<512x512xf32, #tpu.memory_space<hbm>> -> memref<16x16xf32, #tpu.memory_space<hbm>>
    %dma_start3A_400 = arith.constant 0 : i32
    %dma_start3A_401 = arith.constant 0 : i32
    %dma_start3A_402 = tpu.memref_slice %arg8[%dma_start3A_391, %dma_start3A_400, %dma_start3A_401] : memref<32x16x16xf32, #tpu.memory_space<vmem>> -> memref<1x16x16xf32, #tpu.memory_space<vmem>>
    %dma_start3A_403 = tpu.memref_squeeze %dma_start3A_402 : memref<1x16x16xf32, #tpu.memory_space<vmem>> -> memref<16x16xf32, #tpu.memory_space<vmem>>
    tpu.enqueue_dma source(%dma_start3A_403 : memref<16x16xf32, #tpu.memory_space<vmem>>) target(%dma_start3A_399 : memref<16x16xf32, #tpu.memory_space<hbm>>) target_semaphore(%arg10 : memref<!tpu.dma_semaphore, #tpu.memory_space<semaphore_mem>>)
    %mul3A_404 = arith.constant 16 : i32
    %mul3A_405 = arith.muli %add3A, %mul3A_404 : i32
    %dma_start3A_406 = arith.constant 26 : i32
    %dma_start3A_407 = arith.constant 0 : i32
    %dma_start3A_408 = arith.constant 0 : i32
    %dma_start3A_409 = tpu.memref_slice %arg8[%dma_start3A_406, %dma_start3A_407, %dma_start3A_408] : memref<32x16x16xf32, #tpu.memory_space<vmem>> -> memref<1x16x16xf32, #tpu.memory_space<vmem>>
    %dma_start3A_410 = tpu.memref_squeeze %dma_start3A_409 : memref<1x16x16xf32, #tpu.memory_space<vmem>> -> memref<16x16xf32, #tpu.memory_space<vmem>>
    %dma_start3A_411 = arith.constant 416 : i32
    %dma_start3A_412 = tpu.memref_slice %arg5[%mul3A_405, %dma_start3A_411] : memref<512x512xf32, #tpu.memory_space<hbm>> -> memref<16x16xf32, #tpu.memory_space<hbm>>
    %dma_start3A_413 = arith.constant 416 : i32
    %dma_start3A_414 = tpu.memref_slice %arg5[%mul3A_405, %dma_start3A_413] : memref<512x512xf32, #tpu.memory_space<hbm>> -> memref<16x16xf32, #tpu.memory_space<hbm>>
    %dma_start3A_415 = arith.constant 0 : i32
    %dma_start3A_416 = arith.constant 0 : i32
    %dma_start3A_417 = tpu.memref_slice %arg8[%dma_start3A_406, %dma_start3A_415, %dma_start3A_416] : memref<32x16x16xf32, #tpu.memory_space<vmem>> -> memref<1x16x16xf32, #tpu.memory_space<vmem>>
    %dma_start3A_418 = tpu.memref_squeeze %dma_start3A_417 : memref<1x16x16xf32, #tpu.memory_space<vmem>> -> memref<16x16xf32, #tpu.memory_space<vmem>>
    tpu.enqueue_dma source(%dma_start3A_418 : memref<16x16xf32, #tpu.memory_space<vmem>>) target(%dma_start3A_414 : memref<16x16xf32, #tpu.memory_space<hbm>>) target_semaphore(%arg10 : memref<!tpu.dma_semaphore, #tpu.memory_space<semaphore_mem>>)
    %mul3A_419 = arith.constant 16 : i32
    %mul3A_420 = arith.muli %add3A, %mul3A_419 : i32
    %dma_start3A_421 = arith.constant 27 : i32
    %dma_start3A_422 = arith.constant 0 : i32
    %dma_start3A_423 = arith.constant 0 : i32
    %dma_start3A_424 = tpu.memref_slice %arg8[%dma_start3A_421, %dma_start3A_422, %dma_start3A_423] : memref<32x16x16xf32, #tpu.memory_space<vmem>> -> memref<1x16x16xf32, #tpu.memory_space<vmem>>
    %dma_start3A_425 = tpu.memref_squeeze %dma_start3A_424 : memref<1x16x16xf32, #tpu.memory_space<vmem>> -> memref<16x16xf32, #tpu.memory_space<vmem>>
    %dma_start3A_426 = arith.constant 432 : i32
    %dma_start3A_427 = tpu.memref_slice %arg5[%mul3A_420, %dma_start3A_426] : memref<512x512xf32, #tpu.memory_space<hbm>> -> memref<16x16xf32, #tpu.memory_space<hbm>>
    %dma_start3A_428 = arith.constant 432 : i32
    %dma_start3A_429 = tpu.memref_slice %arg5[%mul3A_420, %dma_start3A_428] : memref<512x512xf32, #tpu.memory_space<hbm>> -> memref<16x16xf32, #tpu.memory_space<hbm>>
    %dma_start3A_430 = arith.constant 0 : i32
    %dma_start3A_431 = arith.constant 0 : i32
    %dma_start3A_432 = tpu.memref_slice %arg8[%dma_start3A_421, %dma_start3A_430, %dma_start3A_431] : memref<32x16x16xf32, #tpu.memory_space<vmem>> -> memref<1x16x16xf32, #tpu.memory_space<vmem>>
    %dma_start3A_433 = tpu.memref_squeeze %dma_start3A_432 : memref<1x16x16xf32, #tpu.memory_space<vmem>> -> memref<16x16xf32, #tpu.memory_space<vmem>>
    tpu.enqueue_dma source(%dma_start3A_433 : memref<16x16xf32, #tpu.memory_space<vmem>>) target(%dma_start3A_429 : memref<16x16xf32, #tpu.memory_space<hbm>>) target_semaphore(%arg10 : memref<!tpu.dma_semaphore, #tpu.memory_space<semaphore_mem>>)
    %mul3A_434 = arith.constant 16 : i32
    %mul3A_435 = arith.muli %add3A, %mul3A_434 : i32
    %dma_start3A_436 = arith.constant 28 : i32
    %dma_start3A_437 = arith.constant 0 : i32
    %dma_start3A_438 = arith.constant 0 : i32
    %dma_start3A_439 = tpu.memref_slice %arg8[%dma_start3A_436, %dma_start3A_437, %dma_start3A_438] : memref<32x16x16xf32, #tpu.memory_space<vmem>> -> memref<1x16x16xf32, #tpu.memory_space<vmem>>
    %dma_start3A_440 = tpu.memref_squeeze %dma_start3A_439 : memref<1x16x16xf32, #tpu.memory_space<vmem>> -> memref<16x16xf32, #tpu.memory_space<vmem>>
    %dma_start3A_441 = arith.constant 448 : i32
    %dma_start3A_442 = tpu.memref_slice %arg5[%mul3A_435, %dma_start3A_441] : memref<512x512xf32, #tpu.memory_space<hbm>> -> memref<16x16xf32, #tpu.memory_space<hbm>>
    %dma_start3A_443 = arith.constant 448 : i32
    %dma_start3A_444 = tpu.memref_slice %arg5[%mul3A_435, %dma_start3A_443] : memref<512x512xf32, #tpu.memory_space<hbm>> -> memref<16x16xf32, #tpu.memory_space<hbm>>
    %dma_start3A_445 = arith.constant 0 : i32
    %dma_start3A_446 = arith.constant 0 : i32
    %dma_start3A_447 = tpu.memref_slice %arg8[%dma_start3A_436, %dma_start3A_445, %dma_start3A_446] : memref<32x16x16xf32, #tpu.memory_space<vmem>> -> memref<1x16x16xf32, #tpu.memory_space<vmem>>
    %dma_start3A_448 = tpu.memref_squeeze %dma_start3A_447 : memref<1x16x16xf32, #tpu.memory_space<vmem>> -> memref<16x16xf32, #tpu.memory_space<vmem>>
    tpu.enqueue_dma source(%dma_start3A_448 : memref<16x16xf32, #tpu.memory_space<vmem>>) target(%dma_start3A_444 : memref<16x16xf32, #tpu.memory_space<hbm>>) target_semaphore(%arg10 : memref<!tpu.dma_semaphore, #tpu.memory_space<semaphore_mem>>)
    %mul3A_449 = arith.constant 16 : i32
    %mul3A_450 = arith.muli %add3A, %mul3A_449 : i32
    %dma_start3A_451 = arith.constant 29 : i32
    %dma_start3A_452 = arith.constant 0 : i32
    %dma_start3A_453 = arith.constant 0 : i32
    %dma_start3A_454 = tpu.memref_slice %arg8[%dma_start3A_451, %dma_start3A_452, %dma_start3A_453] : memref<32x16x16xf32, #tpu.memory_space<vmem>> -> memref<1x16x16xf32, #tpu.memory_space<vmem>>
    %dma_start3A_455 = tpu.memref_squeeze %dma_start3A_454 : memref<1x16x16xf32, #tpu.memory_space<vmem>> -> memref<16x16xf32, #tpu.memory_space<vmem>>
    %dma_start3A_456 = arith.constant 464 : i32
    %dma_start3A_457 = tpu.memref_slice %arg5[%mul3A_450, %dma_start3A_456] : memref<512x512xf32, #tpu.memory_space<hbm>> -> memref<16x16xf32, #tpu.memory_space<hbm>>
    %dma_start3A_458 = arith.constant 464 : i32
    %dma_start3A_459 = tpu.memref_slice %arg5[%mul3A_450, %dma_start3A_458] : memref<512x512xf32, #tpu.memory_space<hbm>> -> memref<16x16xf32, #tpu.memory_space<hbm>>
    %dma_start3A_460 = arith.constant 0 : i32
    %dma_start3A_461 = arith.constant 0 : i32
    %dma_start3A_462 = tpu.memref_slice %arg8[%dma_start3A_451, %dma_start3A_460, %dma_start3A_461] : memref<32x16x16xf32, #tpu.memory_space<vmem>> -> memref<1x16x16xf32, #tpu.memory_space<vmem>>
    %dma_start3A_463 = tpu.memref_squeeze %dma_start3A_462 : memref<1x16x16xf32, #tpu.memory_space<vmem>> -> memref<16x16xf32, #tpu.memory_space<vmem>>
    tpu.enqueue_dma source(%dma_start3A_463 : memref<16x16xf32, #tpu.memory_space<vmem>>) target(%dma_start3A_459 : memref<16x16xf32, #tpu.memory_space<hbm>>) target_semaphore(%arg10 : memref<!tpu.dma_semaphore, #tpu.memory_space<semaphore_mem>>)
    %mul3A_464 = arith.constant 16 : i32
    %mul3A_465 = arith.muli %add3A, %mul3A_464 : i32
    %dma_start3A_466 = arith.constant 30 : i32
    %dma_start3A_467 = arith.constant 0 : i32
    %dma_start3A_468 = arith.constant 0 : i32
    %dma_start3A_469 = tpu.memref_slice %arg8[%dma_start3A_466, %dma_start3A_467, %dma_start3A_468] : memref<32x16x16xf32, #tpu.memory_space<vmem>> -> memref<1x16x16xf32, #tpu.memory_space<vmem>>
    %dma_start3A_470 = tpu.memref_squeeze %dma_start3A_469 : memref<1x16x16xf32, #tpu.memory_space<vmem>> -> memref<16x16xf32, #tpu.memory_space<vmem>>
    %dma_start3A_471 = arith.constant 480 : i32
    %dma_start3A_472 = tpu.memref_slice %arg5[%mul3A_465, %dma_start3A_471] : memref<512x512xf32, #tpu.memory_space<hbm>> -> memref<16x16xf32, #tpu.memory_space<hbm>>
    %dma_start3A_473 = arith.constant 480 : i32
    %dma_start3A_474 = tpu.memref_slice %arg5[%mul3A_465, %dma_start3A_473] : memref<512x512xf32, #tpu.memory_space<hbm>> -> memref<16x16xf32, #tpu.memory_space<hbm>>
    %dma_start3A_475 = arith.constant 0 : i32
    %dma_start3A_476 = arith.constant 0 : i32
    %dma_start3A_477 = tpu.memref_slice %arg8[%dma_start3A_466, %dma_start3A_475, %dma_start3A_476] : memref<32x16x16xf32, #tpu.memory_space<vmem>> -> memref<1x16x16xf32, #tpu.memory_space<vmem>>
    %dma_start3A_478 = tpu.memref_squeeze %dma_start3A_477 : memref<1x16x16xf32, #tpu.memory_space<vmem>> -> memref<16x16xf32, #tpu.memory_space<vmem>>
    tpu.enqueue_dma source(%dma_start3A_478 : memref<16x16xf32, #tpu.memory_space<vmem>>) target(%dma_start3A_474 : memref<16x16xf32, #tpu.memory_space<hbm>>) target_semaphore(%arg10 : memref<!tpu.dma_semaphore, #tpu.memory_space<semaphore_mem>>)
    %mul3A_479 = arith.constant 16 : i32
    %mul3A_480 = arith.muli %add3A, %mul3A_479 : i32
    %dma_start3A_481 = arith.constant 31 : i32
    %dma_start3A_482 = arith.constant 0 : i32
    %dma_start3A_483 = arith.constant 0 : i32
    %dma_start3A_484 = tpu.memref_slice %arg8[%dma_start3A_481, %dma_start3A_482, %dma_start3A_483] : memref<32x16x16xf32, #tpu.memory_space<vmem>> -> memref<1x16x16xf32, #tpu.memory_space<vmem>>
    %dma_start3A_485 = tpu.memref_squeeze %dma_start3A_484 : memref<1x16x16xf32, #tpu.memory_space<vmem>> -> memref<16x16xf32, #tpu.memory_space<vmem>>
    %dma_start3A_486 = arith.constant 496 : i32
    %dma_start3A_487 = tpu.memref_slice %arg5[%mul3A_480, %dma_start3A_486] : memref<512x512xf32, #tpu.memory_space<hbm>> -> memref<16x16xf32, #tpu.memory_space<hbm>>
    %dma_start3A_488 = arith.constant 496 : i32
    %dma_start3A_489 = tpu.memref_slice %arg5[%mul3A_480, %dma_start3A_488] : memref<512x512xf32, #tpu.memory_space<hbm>> -> memref<16x16xf32, #tpu.memory_space<hbm>>
    %dma_start3A_490 = arith.constant 0 : i32
    %dma_start3A_491 = arith.constant 0 : i32
    %dma_start3A_492 = tpu.memref_slice %arg8[%dma_start3A_481, %dma_start3A_490, %dma_start3A_491] : memref<32x16x16xf32, #tpu.memory_space<vmem>> -> memref<1x16x16xf32, #tpu.memory_space<vmem>>
    %dma_start3A_493 = tpu.memref_squeeze %dma_start3A_492 : memref<1x16x16xf32, #tpu.memory_space<vmem>> -> memref<16x16xf32, #tpu.memory_space<vmem>>
    tpu.enqueue_dma source(%dma_start3A_493 : memref<16x16xf32, #tpu.memory_space<vmem>>) target(%dma_start3A_489 : memref<16x16xf32, #tpu.memory_space<hbm>>) target_semaphore(%arg10 : memref<!tpu.dma_semaphore, #tpu.memory_space<semaphore_mem>>)
    %dma_wait3A_494 = arith.constant 0 : i32
    %dma_wait3A_495 = arith.constant 0 : i32
    %dma_wait3A_496 = arith.constant 0 : i32
    %dma_wait3A_497 = tpu.memref_slice %arg8[%dma_wait3A_494, %dma_wait3A_495, %dma_wait3A_496] : memref<32x16x16xf32, #tpu.memory_space<vmem>> -> memref<1x16x16xf32, #tpu.memory_space<vmem>>
    %dma_wait3A_498 = tpu.memref_squeeze %dma_wait3A_497 : memref<1x16x16xf32, #tpu.memory_space<vmem>> -> memref<16x16xf32, #tpu.memory_space<vmem>>
    %dma_wait3A_499 = arith.constant 0 : i32
    %dma_wait3A_500 = tpu.memref_slice %arg5[%mul3A_15, %dma_wait3A_499] : memref<512x512xf32, #tpu.memory_space<hbm>> -> memref<16x16xf32, #tpu.memory_space<hbm>>
    %dma_wait3A_501 = arith.constant 0 : i32
    %dma_wait3A_502 = tpu.memref_slice %arg5[%mul3A_15, %dma_wait3A_501] : memref<512x512xf32, #tpu.memory_space<hbm>> -> memref<16x16xf32, #tpu.memory_space<hbm>>
    %dma_wait3A_503 = arith.constant 0 : i32
    %dma_wait3A_504 = arith.constant 0 : i32
    %dma_wait3A_505 = tpu.memref_slice %arg8[%dma_wait3A_494, %dma_wait3A_503, %dma_wait3A_504] : memref<32x16x16xf32, #tpu.memory_space<vmem>> -> memref<1x16x16xf32, #tpu.memory_space<vmem>>
    %dma_wait3A_506 = tpu.memref_squeeze %dma_wait3A_505 : memref<1x16x16xf32, #tpu.memory_space<vmem>> -> memref<16x16xf32, #tpu.memory_space<vmem>>
    tpu.wait_dma2 semaphore(%arg10 : memref<!tpu.dma_semaphore, #tpu.memory_space<semaphore_mem>>) src(%dma_wait3A_506 : memref<16x16xf32, #tpu.memory_space<vmem>>) dst(%dma_wait3A_502 : memref<16x16xf32, #tpu.memory_space<hbm>>)
    %dma_wait3A_507 = arith.constant 1 : i32
    %dma_wait3A_508 = arith.constant 0 : i32
    %dma_wait3A_509 = arith.constant 0 : i32
    %dma_wait3A_510 = tpu.memref_slice %arg8[%dma_wait3A_507, %dma_wait3A_508, %dma_wait3A_509] : memref<32x16x16xf32, #tpu.memory_space<vmem>> -> memref<1x16x16xf32, #tpu.memory_space<vmem>>
    %dma_wait3A_511 = tpu.memref_squeeze %dma_wait3A_510 : memref<1x16x16xf32, #tpu.memory_space<vmem>> -> memref<16x16xf32, #tpu.memory_space<vmem>>
    %dma_wait3A_512 = arith.constant 16 : i32
    %dma_wait3A_513 = tpu.memref_slice %arg5[%mul3A_30, %dma_wait3A_512] : memref<512x512xf32, #tpu.memory_space<hbm>> -> memref<16x16xf32, #tpu.memory_space<hbm>>
    %dma_wait3A_514 = arith.constant 16 : i32
    %dma_wait3A_515 = tpu.memref_slice %arg5[%mul3A_30, %dma_wait3A_514] : memref<512x512xf32, #tpu.memory_space<hbm>> -> memref<16x16xf32, #tpu.memory_space<hbm>>
    %dma_wait3A_516 = arith.constant 0 : i32
    %dma_wait3A_517 = arith.constant 0 : i32
    %dma_wait3A_518 = tpu.memref_slice %arg8[%dma_wait3A_507, %dma_wait3A_516, %dma_wait3A_517] : memref<32x16x16xf32, #tpu.memory_space<vmem>> -> memref<1x16x16xf32, #tpu.memory_space<vmem>>
    %dma_wait3A_519 = tpu.memref_squeeze %dma_wait3A_518 : memref<1x16x16xf32, #tpu.memory_space<vmem>> -> memref<16x16xf32, #tpu.memory_space<vmem>>
    tpu.wait_dma2 semaphore(%arg10 : memref<!tpu.dma_semaphore, #tpu.memory_space<semaphore_mem>>) src(%dma_wait3A_519 : memref<16x16xf32, #tpu.memory_space<vmem>>) dst(%dma_wait3A_515 : memref<16x16xf32, #tpu.memory_space<hbm>>)
    %dma_wait3A_520 = arith.constant 2 : i32
    %dma_wait3A_521 = arith.constant 0 : i32
    %dma_wait3A_522 = arith.constant 0 : i32
    %dma_wait3A_523 = tpu.memref_slice %arg8[%dma_wait3A_520, %dma_wait3A_521, %dma_wait3A_522] : memref<32x16x16xf32, #tpu.memory_space<vmem>> -> memref<1x16x16xf32, #tpu.memory_space<vmem>>
    %dma_wait3A_524 = tpu.memref_squeeze %dma_wait3A_523 : memref<1x16x16xf32, #tpu.memory_space<vmem>> -> memref<16x16xf32, #tpu.memory_space<vmem>>
    %dma_wait3A_525 = arith.constant 32 : i32
    %dma_wait3A_526 = tpu.memref_slice %arg5[%mul3A_45, %dma_wait3A_525] : memref<512x512xf32, #tpu.memory_space<hbm>> -> memref<16x16xf32, #tpu.memory_space<hbm>>
    %dma_wait3A_527 = arith.constant 32 : i32
    %dma_wait3A_528 = tpu.memref_slice %arg5[%mul3A_45, %dma_wait3A_527] : memref<512x512xf32, #tpu.memory_space<hbm>> -> memref<16x16xf32, #tpu.memory_space<hbm>>
    %dma_wait3A_529 = arith.constant 0 : i32
    %dma_wait3A_530 = arith.constant 0 : i32
    %dma_wait3A_531 = tpu.memref_slice %arg8[%dma_wait3A_520, %dma_wait3A_529, %dma_wait3A_530] : memref<32x16x16xf32, #tpu.memory_space<vmem>> -> memref<1x16x16xf32, #tpu.memory_space<vmem>>
    %dma_wait3A_532 = tpu.memref_squeeze %dma_wait3A_531 : memref<1x16x16xf32, #tpu.memory_space<vmem>> -> memref<16x16xf32, #tpu.memory_space<vmem>>
    tpu.wait_dma2 semaphore(%arg10 : memref<!tpu.dma_semaphore, #tpu.memory_space<semaphore_mem>>) src(%dma_wait3A_532 : memref<16x16xf32, #tpu.memory_space<vmem>>) dst(%dma_wait3A_528 : memref<16x16xf32, #tpu.memory_space<hbm>>)
    %dma_wait3A_533 = arith.constant 3 : i32
    %dma_wait3A_534 = arith.constant 0 : i32
    %dma_wait3A_535 = arith.constant 0 : i32
    %dma_wait3A_536 = tpu.memref_slice %arg8[%dma_wait3A_533, %dma_wait3A_534, %dma_wait3A_535] : memref<32x16x16xf32, #tpu.memory_space<vmem>> -> memref<1x16x16xf32, #tpu.memory_space<vmem>>
    %dma_wait3A_537 = tpu.memref_squeeze %dma_wait3A_536 : memref<1x16x16xf32, #tpu.memory_space<vmem>> -> memref<16x16xf32, #tpu.memory_space<vmem>>
    %dma_wait3A_538 = arith.constant 48 : i32
    %dma_wait3A_539 = tpu.memref_slice %arg5[%mul3A_60, %dma_wait3A_538] : memref<512x512xf32, #tpu.memory_space<hbm>> -> memref<16x16xf32, #tpu.memory_space<hbm>>
    %dma_wait3A_540 = arith.constant 48 : i32
    %dma_wait3A_541 = tpu.memref_slice %arg5[%mul3A_60, %dma_wait3A_540] : memref<512x512xf32, #tpu.memory_space<hbm>> -> memref<16x16xf32, #tpu.memory_space<hbm>>
    %dma_wait3A_542 = arith.constant 0 : i32
    %dma_wait3A_543 = arith.constant 0 : i32
    %dma_wait3A_544 = tpu.memref_slice %arg8[%dma_wait3A_533, %dma_wait3A_542, %dma_wait3A_543] : memref<32x16x16xf32, #tpu.memory_space<vmem>> -> memref<1x16x16xf32, #tpu.memory_space<vmem>>
    %dma_wait3A_545 = tpu.memref_squeeze %dma_wait3A_544 : memref<1x16x16xf32, #tpu.memory_space<vmem>> -> memref<16x16xf32, #tpu.memory_space<vmem>>
    tpu.wait_dma2 semaphore(%arg10 : memref<!tpu.dma_semaphore, #tpu.memory_space<semaphore_mem>>) src(%dma_wait3A_545 : memref<16x16xf32, #tpu.memory_space<vmem>>) dst(%dma_wait3A_541 : memref<16x16xf32, #tpu.memory_space<hbm>>)
    %dma_wait3A_546 = arith.constant 4 : i32
    %dma_wait3A_547 = arith.constant 0 : i32
    %dma_wait3A_548 = arith.constant 0 : i32
    %dma_wait3A_549 = tpu.memref_slice %arg8[%dma_wait3A_546, %dma_wait3A_547, %dma_wait3A_548] : memref<32x16x16xf32, #tpu.memory_space<vmem>> -> memref<1x16x16xf32, #tpu.memory_space<vmem>>
    %dma_wait3A_550 = tpu.memref_squeeze %dma_wait3A_549 : memref<1x16x16xf32, #tpu.memory_space<vmem>> -> memref<16x16xf32, #tpu.memory_space<vmem>>
    %dma_wait3A_551 = arith.constant 64 : i32
    %dma_wait3A_552 = tpu.memref_slice %arg5[%mul3A_75, %dma_wait3A_551] : memref<512x512xf32, #tpu.memory_space<hbm>> -> memref<16x16xf32, #tpu.memory_space<hbm>>
    %dma_wait3A_553 = arith.constant 64 : i32
    %dma_wait3A_554 = tpu.memref_slice %arg5[%mul3A_75, %dma_wait3A_553] : memref<512x512xf32, #tpu.memory_space<hbm>> -> memref<16x16xf32, #tpu.memory_space<hbm>>
    %dma_wait3A_555 = arith.constant 0 : i32
    %dma_wait3A_556 = arith.constant 0 : i32
    %dma_wait3A_557 = tpu.memref_slice %arg8[%dma_wait3A_546, %dma_wait3A_555, %dma_wait3A_556] : memref<32x16x16xf32, #tpu.memory_space<vmem>> -> memref<1x16x16xf32, #tpu.memory_space<vmem>>
    %dma_wait3A_558 = tpu.memref_squeeze %dma_wait3A_557 : memref<1x16x16xf32, #tpu.memory_space<vmem>> -> memref<16x16xf32, #tpu.memory_space<vmem>>
    tpu.wait_dma2 semaphore(%arg10 : memref<!tpu.dma_semaphore, #tpu.memory_space<semaphore_mem>>) src(%dma_wait3A_558 : memref<16x16xf32, #tpu.memory_space<vmem>>) dst(%dma_wait3A_554 : memref<16x16xf32, #tpu.memory_space<hbm>>)
    %dma_wait3A_559 = arith.constant 5 : i32
    %dma_wait3A_560 = arith.constant 0 : i32
    %dma_wait3A_561 = arith.constant 0 : i32
    %dma_wait3A_562 = tpu.memref_slice %arg8[%dma_wait3A_559, %dma_wait3A_560, %dma_wait3A_561] : memref<32x16x16xf32, #tpu.memory_space<vmem>> -> memref<1x16x16xf32, #tpu.memory_space<vmem>>
    %dma_wait3A_563 = tpu.memref_squeeze %dma_wait3A_562 : memref<1x16x16xf32, #tpu.memory_space<vmem>> -> memref<16x16xf32, #tpu.memory_space<vmem>>
    %dma_wait3A_564 = arith.constant 80 : i32
    %dma_wait3A_565 = tpu.memref_slice %arg5[%mul3A_90, %dma_wait3A_564] : memref<512x512xf32, #tpu.memory_space<hbm>> -> memref<16x16xf32, #tpu.memory_space<hbm>>
    %dma_wait3A_566 = arith.constant 80 : i32
    %dma_wait3A_567 = tpu.memref_slice %arg5[%mul3A_90, %dma_wait3A_566] : memref<512x512xf32, #tpu.memory_space<hbm>> -> memref<16x16xf32, #tpu.memory_space<hbm>>
    %dma_wait3A_568 = arith.constant 0 : i32
    %dma_wait3A_569 = arith.constant 0 : i32
    %dma_wait3A_570 = tpu.memref_slice %arg8[%dma_wait3A_559, %dma_wait3A_568, %dma_wait3A_569] : memref<32x16x16xf32, #tpu.memory_space<vmem>> -> memref<1x16x16xf32, #tpu.memory_space<vmem>>
    %dma_wait3A_571 = tpu.memref_squeeze %dma_wait3A_570 : memref<1x16x16xf32, #tpu.memory_space<vmem>> -> memref<16x16xf32, #tpu.memory_space<vmem>>
    tpu.wait_dma2 semaphore(%arg10 : memref<!tpu.dma_semaphore, #tpu.memory_space<semaphore_mem>>) src(%dma_wait3A_571 : memref<16x16xf32, #tpu.memory_space<vmem>>) dst(%dma_wait3A_567 : memref<16x16xf32, #tpu.memory_space<hbm>>)
    %dma_wait3A_572 = arith.constant 6 : i32
    %dma_wait3A_573 = arith.constant 0 : i32
    %dma_wait3A_574 = arith.constant 0 : i32
    %dma_wait3A_575 = tpu.memref_slice %arg8[%dma_wait3A_572, %dma_wait3A_573, %dma_wait3A_574] : memref<32x16x16xf32, #tpu.memory_space<vmem>> -> memref<1x16x16xf32, #tpu.memory_space<vmem>>
    %dma_wait3A_576 = tpu.memref_squeeze %dma_wait3A_575 : memref<1x16x16xf32, #tpu.memory_space<vmem>> -> memref<16x16xf32, #tpu.memory_space<vmem>>
    %dma_wait3A_577 = arith.constant 96 : i32
    %dma_wait3A_578 = tpu.memref_slice %arg5[%mul3A_105, %dma_wait3A_577] : memref<512x512xf32, #tpu.memory_space<hbm>> -> memref<16x16xf32, #tpu.memory_space<hbm>>
    %dma_wait3A_579 = arith.constant 96 : i32
    %dma_wait3A_580 = tpu.memref_slice %arg5[%mul3A_105, %dma_wait3A_579] : memref<512x512xf32, #tpu.memory_space<hbm>> -> memref<16x16xf32, #tpu.memory_space<hbm>>
    %dma_wait3A_581 = arith.constant 0 : i32
    %dma_wait3A_582 = arith.constant 0 : i32
    %dma_wait3A_583 = tpu.memref_slice %arg8[%dma_wait3A_572, %dma_wait3A_581, %dma_wait3A_582] : memref<32x16x16xf32, #tpu.memory_space<vmem>> -> memref<1x16x16xf32, #tpu.memory_space<vmem>>
    %dma_wait3A_584 = tpu.memref_squeeze %dma_wait3A_583 : memref<1x16x16xf32, #tpu.memory_space<vmem>> -> memref<16x16xf32, #tpu.memory_space<vmem>>
    tpu.wait_dma2 semaphore(%arg10 : memref<!tpu.dma_semaphore, #tpu.memory_space<semaphore_mem>>) src(%dma_wait3A_584 : memref<16x16xf32, #tpu.memory_space<vmem>>) dst(%dma_wait3A_580 : memref<16x16xf32, #tpu.memory_space<hbm>>)
    %dma_wait3A_585 = arith.constant 7 : i32
    %dma_wait3A_586 = arith.constant 0 : i32
    %dma_wait3A_587 = arith.constant 0 : i32
    %dma_wait3A_588 = tpu.memref_slice %arg8[%dma_wait3A_585, %dma_wait3A_586, %dma_wait3A_587] : memref<32x16x16xf32, #tpu.memory_space<vmem>> -> memref<1x16x16xf32, #tpu.memory_space<vmem>>
    %dma_wait3A_589 = tpu.memref_squeeze %dma_wait3A_588 : memref<1x16x16xf32, #tpu.memory_space<vmem>> -> memref<16x16xf32, #tpu.memory_space<vmem>>
    %dma_wait3A_590 = arith.constant 112 : i32
    %dma_wait3A_591 = tpu.memref_slice %arg5[%mul3A_120, %dma_wait3A_590] : memref<512x512xf32, #tpu.memory_space<hbm>> -> memref<16x16xf32, #tpu.memory_space<hbm>>
    %dma_wait3A_592 = arith.constant 112 : i32
    %dma_wait3A_593 = tpu.memref_slice %arg5[%mul3A_120, %dma_wait3A_592] : memref<512x512xf32, #tpu.memory_space<hbm>> -> memref<16x16xf32, #tpu.memory_space<hbm>>
    %dma_wait3A_594 = arith.constant 0 : i32
    %dma_wait3A_595 = arith.constant 0 : i32
    %dma_wait3A_596 = tpu.memref_slice %arg8[%dma_wait3A_585, %dma_wait3A_594, %dma_wait3A_595] : memref<32x16x16xf32, #tpu.memory_space<vmem>> -> memref<1x16x16xf32, #tpu.memory_space<vmem>>
    %dma_wait3A_597 = tpu.memref_squeeze %dma_wait3A_596 : memref<1x16x16xf32, #tpu.memory_space<vmem>> -> memref<16x16xf32, #tpu.memory_space<vmem>>
    tpu.wait_dma2 semaphore(%arg10 : memref<!tpu.dma_semaphore, #tpu.memory_space<semaphore_mem>>) src(%dma_wait3A_597 : memref<16x16xf32, #tpu.memory_space<vmem>>) dst(%dma_wait3A_593 : memref<16x16xf32, #tpu.memory_space<hbm>>)
    %dma_wait3A_598 = arith.constant 8 : i32
    %dma_wait3A_599 = arith.constant 0 : i32
    %dma_wait3A_600 = arith.constant 0 : i32
    %dma_wait3A_601 = tpu.memref_slice %arg8[%dma_wait3A_598, %dma_wait3A_599, %dma_wait3A_600] : memref<32x16x16xf32, #tpu.memory_space<vmem>> -> memref<1x16x16xf32, #tpu.memory_space<vmem>>
    %dma_wait3A_602 = tpu.memref_squeeze %dma_wait3A_601 : memref<1x16x16xf32, #tpu.memory_space<vmem>> -> memref<16x16xf32, #tpu.memory_space<vmem>>
    %dma_wait3A_603 = arith.constant 128 : i32
    %dma_wait3A_604 = tpu.memref_slice %arg5[%mul3A_135, %dma_wait3A_603] : memref<512x512xf32, #tpu.memory_space<hbm>> -> memref<16x16xf32, #tpu.memory_space<hbm>>
    %dma_wait3A_605 = arith.constant 128 : i32
    %dma_wait3A_606 = tpu.memref_slice %arg5[%mul3A_135, %dma_wait3A_605] : memref<512x512xf32, #tpu.memory_space<hbm>> -> memref<16x16xf32, #tpu.memory_space<hbm>>
    %dma_wait3A_607 = arith.constant 0 : i32
    %dma_wait3A_608 = arith.constant 0 : i32
    %dma_wait3A_609 = tpu.memref_slice %arg8[%dma_wait3A_598, %dma_wait3A_607, %dma_wait3A_608] : memref<32x16x16xf32, #tpu.memory_space<vmem>> -> memref<1x16x16xf32, #tpu.memory_space<vmem>>
    %dma_wait3A_610 = tpu.memref_squeeze %dma_wait3A_609 : memref<1x16x16xf32, #tpu.memory_space<vmem>> -> memref<16x16xf32, #tpu.memory_space<vmem>>
    tpu.wait_dma2 semaphore(%arg10 : memref<!tpu.dma_semaphore, #tpu.memory_space<semaphore_mem>>) src(%dma_wait3A_610 : memref<16x16xf32, #tpu.memory_space<vmem>>) dst(%dma_wait3A_606 : memref<16x16xf32, #tpu.memory_space<hbm>>)
    %dma_wait3A_611 = arith.constant 9 : i32
    %dma_wait3A_612 = arith.constant 0 : i32
    %dma_wait3A_613 = arith.constant 0 : i32
    %dma_wait3A_614 = tpu.memref_slice %arg8[%dma_wait3A_611, %dma_wait3A_612, %dma_wait3A_613] : memref<32x16x16xf32, #tpu.memory_space<vmem>> -> memref<1x16x16xf32, #tpu.memory_space<vmem>>
    %dma_wait3A_615 = tpu.memref_squeeze %dma_wait3A_614 : memref<1x16x16xf32, #tpu.memory_space<vmem>> -> memref<16x16xf32, #tpu.memory_space<vmem>>
    %dma_wait3A_616 = arith.constant 144 : i32
    %dma_wait3A_617 = tpu.memref_slice %arg5[%mul3A_150, %dma_wait3A_616] : memref<512x512xf32, #tpu.memory_space<hbm>> -> memref<16x16xf32, #tpu.memory_space<hbm>>
    %dma_wait3A_618 = arith.constant 144 : i32
    %dma_wait3A_619 = tpu.memref_slice %arg5[%mul3A_150, %dma_wait3A_618] : memref<512x512xf32, #tpu.memory_space<hbm>> -> memref<16x16xf32, #tpu.memory_space<hbm>>
    %dma_wait3A_620 = arith.constant 0 : i32
    %dma_wait3A_621 = arith.constant 0 : i32
    %dma_wait3A_622 = tpu.memref_slice %arg8[%dma_wait3A_611, %dma_wait3A_620, %dma_wait3A_621] : memref<32x16x16xf32, #tpu.memory_space<vmem>> -> memref<1x16x16xf32, #tpu.memory_space<vmem>>
    %dma_wait3A_623 = tpu.memref_squeeze %dma_wait3A_622 : memref<1x16x16xf32, #tpu.memory_space<vmem>> -> memref<16x16xf32, #tpu.memory_space<vmem>>
    tpu.wait_dma2 semaphore(%arg10 : memref<!tpu.dma_semaphore, #tpu.memory_space<semaphore_mem>>) src(%dma_wait3A_623 : memref<16x16xf32, #tpu.memory_space<vmem>>) dst(%dma_wait3A_619 : memref<16x16xf32, #tpu.memory_space<hbm>>)
    %dma_wait3A_624 = arith.constant 10 : i32
    %dma_wait3A_625 = arith.constant 0 : i32
    %dma_wait3A_626 = arith.constant 0 : i32
    %dma_wait3A_627 = tpu.memref_slice %arg8[%dma_wait3A_624, %dma_wait3A_625, %dma_wait3A_626] : memref<32x16x16xf32, #tpu.memory_space<vmem>> -> memref<1x16x16xf32, #tpu.memory_space<vmem>>
    %dma_wait3A_628 = tpu.memref_squeeze %dma_wait3A_627 : memref<1x16x16xf32, #tpu.memory_space<vmem>> -> memref<16x16xf32, #tpu.memory_space<vmem>>
    %dma_wait3A_629 = arith.constant 160 : i32
    %dma_wait3A_630 = tpu.memref_slice %arg5[%mul3A_165, %dma_wait3A_629] : memref<512x512xf32, #tpu.memory_space<hbm>> -> memref<16x16xf32, #tpu.memory_space<hbm>>
    %dma_wait3A_631 = arith.constant 160 : i32
    %dma_wait3A_632 = tpu.memref_slice %arg5[%mul3A_165, %dma_wait3A_631] : memref<512x512xf32, #tpu.memory_space<hbm>> -> memref<16x16xf32, #tpu.memory_space<hbm>>
    %dma_wait3A_633 = arith.constant 0 : i32
    %dma_wait3A_634 = arith.constant 0 : i32
    %dma_wait3A_635 = tpu.memref_slice %arg8[%dma_wait3A_624, %dma_wait3A_633, %dma_wait3A_634] : memref<32x16x16xf32, #tpu.memory_space<vmem>> -> memref<1x16x16xf32, #tpu.memory_space<vmem>>
    %dma_wait3A_636 = tpu.memref_squeeze %dma_wait3A_635 : memref<1x16x16xf32, #tpu.memory_space<vmem>> -> memref<16x16xf32, #tpu.memory_space<vmem>>
    tpu.wait_dma2 semaphore(%arg10 : memref<!tpu.dma_semaphore, #tpu.memory_space<semaphore_mem>>) src(%dma_wait3A_636 : memref<16x16xf32, #tpu.memory_space<vmem>>) dst(%dma_wait3A_632 : memref<16x16xf32, #tpu.memory_space<hbm>>)
    %dma_wait3A_637 = arith.constant 11 : i32
    %dma_wait3A_638 = arith.constant 0 : i32
    %dma_wait3A_639 = arith.constant 0 : i32
    %dma_wait3A_640 = tpu.memref_slice %arg8[%dma_wait3A_637, %dma_wait3A_638, %dma_wait3A_639] : memref<32x16x16xf32, #tpu.memory_space<vmem>> -> memref<1x16x16xf32, #tpu.memory_space<vmem>>
    %dma_wait3A_641 = tpu.memref_squeeze %dma_wait3A_640 : memref<1x16x16xf32, #tpu.memory_space<vmem>> -> memref<16x16xf32, #tpu.memory_space<vmem>>
    %dma_wait3A_642 = arith.constant 176 : i32
    %dma_wait3A_643 = tpu.memref_slice %arg5[%mul3A_180, %dma_wait3A_642] : memref<512x512xf32, #tpu.memory_space<hbm>> -> memref<16x16xf32, #tpu.memory_space<hbm>>
    %dma_wait3A_644 = arith.constant 176 : i32
    %dma_wait3A_645 = tpu.memref_slice %arg5[%mul3A_180, %dma_wait3A_644] : memref<512x512xf32, #tpu.memory_space<hbm>> -> memref<16x16xf32, #tpu.memory_space<hbm>>
    %dma_wait3A_646 = arith.constant 0 : i32
    %dma_wait3A_647 = arith.constant 0 : i32
    %dma_wait3A_648 = tpu.memref_slice %arg8[%dma_wait3A_637, %dma_wait3A_646, %dma_wait3A_647] : memref<32x16x16xf32, #tpu.memory_space<vmem>> -> memref<1x16x16xf32, #tpu.memory_space<vmem>>
    %dma_wait3A_649 = tpu.memref_squeeze %dma_wait3A_648 : memref<1x16x16xf32, #tpu.memory_space<vmem>> -> memref<16x16xf32, #tpu.memory_space<vmem>>
    tpu.wait_dma2 semaphore(%arg10 : memref<!tpu.dma_semaphore, #tpu.memory_space<semaphore_mem>>) src(%dma_wait3A_649 : memref<16x16xf32, #tpu.memory_space<vmem>>) dst(%dma_wait3A_645 : memref<16x16xf32, #tpu.memory_space<hbm>>)
    %dma_wait3A_650 = arith.constant 12 : i32
    %dma_wait3A_651 = arith.constant 0 : i32
    %dma_wait3A_652 = arith.constant 0 : i32
    %dma_wait3A_653 = tpu.memref_slice %arg8[%dma_wait3A_650, %dma_wait3A_651, %dma_wait3A_652] : memref<32x16x16xf32, #tpu.memory_space<vmem>> -> memref<1x16x16xf32, #tpu.memory_space<vmem>>
    %dma_wait3A_654 = tpu.memref_squeeze %dma_wait3A_653 : memref<1x16x16xf32, #tpu.memory_space<vmem>> -> memref<16x16xf32, #tpu.memory_space<vmem>>
    %dma_wait3A_655 = arith.constant 192 : i32
    %dma_wait3A_656 = tpu.memref_slice %arg5[%mul3A_195, %dma_wait3A_655] : memref<512x512xf32, #tpu.memory_space<hbm>> -> memref<16x16xf32, #tpu.memory_space<hbm>>
    %dma_wait3A_657 = arith.constant 192 : i32
    %dma_wait3A_658 = tpu.memref_slice %arg5[%mul3A_195, %dma_wait3A_657] : memref<512x512xf32, #tpu.memory_space<hbm>> -> memref<16x16xf32, #tpu.memory_space<hbm>>
    %dma_wait3A_659 = arith.constant 0 : i32
    %dma_wait3A_660 = arith.constant 0 : i32
    %dma_wait3A_661 = tpu.memref_slice %arg8[%dma_wait3A_650, %dma_wait3A_659, %dma_wait3A_660] : memref<32x16x16xf32, #tpu.memory_space<vmem>> -> memref<1x16x16xf32, #tpu.memory_space<vmem>>
    %dma_wait3A_662 = tpu.memref_squeeze %dma_wait3A_661 : memref<1x16x16xf32, #tpu.memory_space<vmem>> -> memref<16x16xf32, #tpu.memory_space<vmem>>
    tpu.wait_dma2 semaphore(%arg10 : memref<!tpu.dma_semaphore, #tpu.memory_space<semaphore_mem>>) src(%dma_wait3A_662 : memref<16x16xf32, #tpu.memory_space<vmem>>) dst(%dma_wait3A_658 : memref<16x16xf32, #tpu.memory_space<hbm>>)
    %dma_wait3A_663 = arith.constant 13 : i32
    %dma_wait3A_664 = arith.constant 0 : i32
    %dma_wait3A_665 = arith.constant 0 : i32
    %dma_wait3A_666 = tpu.memref_slice %arg8[%dma_wait3A_663, %dma_wait3A_664, %dma_wait3A_665] : memref<32x16x16xf32, #tpu.memory_space<vmem>> -> memref<1x16x16xf32, #tpu.memory_space<vmem>>
    %dma_wait3A_667 = tpu.memref_squeeze %dma_wait3A_666 : memref<1x16x16xf32, #tpu.memory_space<vmem>> -> memref<16x16xf32, #tpu.memory_space<vmem>>
    %dma_wait3A_668 = arith.constant 208 : i32
    %dma_wait3A_669 = tpu.memref_slice %arg5[%mul3A_210, %dma_wait3A_668] : memref<512x512xf32, #tpu.memory_space<hbm>> -> memref<16x16xf32, #tpu.memory_space<hbm>>
    %dma_wait3A_670 = arith.constant 208 : i32
    %dma_wait3A_671 = tpu.memref_slice %arg5[%mul3A_210, %dma_wait3A_670] : memref<512x512xf32, #tpu.memory_space<hbm>> -> memref<16x16xf32, #tpu.memory_space<hbm>>
    %dma_wait3A_672 = arith.constant 0 : i32
    %dma_wait3A_673 = arith.constant 0 : i32
    %dma_wait3A_674 = tpu.memref_slice %arg8[%dma_wait3A_663, %dma_wait3A_672, %dma_wait3A_673] : memref<32x16x16xf32, #tpu.memory_space<vmem>> -> memref<1x16x16xf32, #tpu.memory_space<vmem>>
    %dma_wait3A_675 = tpu.memref_squeeze %dma_wait3A_674 : memref<1x16x16xf32, #tpu.memory_space<vmem>> -> memref<16x16xf32, #tpu.memory_space<vmem>>
    tpu.wait_dma2 semaphore(%arg10 : memref<!tpu.dma_semaphore, #tpu.memory_space<semaphore_mem>>) src(%dma_wait3A_675 : memref<16x16xf32, #tpu.memory_space<vmem>>) dst(%dma_wait3A_671 : memref<16x16xf32, #tpu.memory_space<hbm>>)
    %dma_wait3A_676 = arith.constant 14 : i32
    %dma_wait3A_677 = arith.constant 0 : i32
    %dma_wait3A_678 = arith.constant 0 : i32
    %dma_wait3A_679 = tpu.memref_slice %arg8[%dma_wait3A_676, %dma_wait3A_677, %dma_wait3A_678] : memref<32x16x16xf32, #tpu.memory_space<vmem>> -> memref<1x16x16xf32, #tpu.memory_space<vmem>>
    %dma_wait3A_680 = tpu.memref_squeeze %dma_wait3A_679 : memref<1x16x16xf32, #tpu.memory_space<vmem>> -> memref<16x16xf32, #tpu.memory_space<vmem>>
    %dma_wait3A_681 = arith.constant 224 : i32
    %dma_wait3A_682 = tpu.memref_slice %arg5[%mul3A_225, %dma_wait3A_681] : memref<512x512xf32, #tpu.memory_space<hbm>> -> memref<16x16xf32, #tpu.memory_space<hbm>>
    %dma_wait3A_683 = arith.constant 224 : i32
    %dma_wait3A_684 = tpu.memref_slice %arg5[%mul3A_225, %dma_wait3A_683] : memref<512x512xf32, #tpu.memory_space<hbm>> -> memref<16x16xf32, #tpu.memory_space<hbm>>
    %dma_wait3A_685 = arith.constant 0 : i32
    %dma_wait3A_686 = arith.constant 0 : i32
    %dma_wait3A_687 = tpu.memref_slice %arg8[%dma_wait3A_676, %dma_wait3A_685, %dma_wait3A_686] : memref<32x16x16xf32, #tpu.memory_space<vmem>> -> memref<1x16x16xf32, #tpu.memory_space<vmem>>
    %dma_wait3A_688 = tpu.memref_squeeze %dma_wait3A_687 : memref<1x16x16xf32, #tpu.memory_space<vmem>> -> memref<16x16xf32, #tpu.memory_space<vmem>>
    tpu.wait_dma2 semaphore(%arg10 : memref<!tpu.dma_semaphore, #tpu.memory_space<semaphore_mem>>) src(%dma_wait3A_688 : memref<16x16xf32, #tpu.memory_space<vmem>>) dst(%dma_wait3A_684 : memref<16x16xf32, #tpu.memory_space<hbm>>)
    %dma_wait3A_689 = arith.constant 15 : i32
    %dma_wait3A_690 = arith.constant 0 : i32
    %dma_wait3A_691 = arith.constant 0 : i32
    %dma_wait3A_692 = tpu.memref_slice %arg8[%dma_wait3A_689, %dma_wait3A_690, %dma_wait3A_691] : memref<32x16x16xf32, #tpu.memory_space<vmem>> -> memref<1x16x16xf32, #tpu.memory_space<vmem>>
    %dma_wait3A_693 = tpu.memref_squeeze %dma_wait3A_692 : memref<1x16x16xf32, #tpu.memory_space<vmem>> -> memref<16x16xf32, #tpu.memory_space<vmem>>
    %dma_wait3A_694 = arith.constant 240 : i32
    %dma_wait3A_695 = tpu.memref_slice %arg5[%mul3A_240, %dma_wait3A_694] : memref<512x512xf32, #tpu.memory_space<hbm>> -> memref<16x16xf32, #tpu.memory_space<hbm>>
    %dma_wait3A_696 = arith.constant 240 : i32
    %dma_wait3A_697 = tpu.memref_slice %arg5[%mul3A_240, %dma_wait3A_696] : memref<512x512xf32, #tpu.memory_space<hbm>> -> memref<16x16xf32, #tpu.memory_space<hbm>>
    %dma_wait3A_698 = arith.constant 0 : i32
    %dma_wait3A_699 = arith.constant 0 : i32
    %dma_wait3A_700 = tpu.memref_slice %arg8[%dma_wait3A_689, %dma_wait3A_698, %dma_wait3A_699] : memref<32x16x16xf32, #tpu.memory_space<vmem>> -> memref<1x16x16xf32, #tpu.memory_space<vmem>>
    %dma_wait3A_701 = tpu.memref_squeeze %dma_wait3A_700 : memref<1x16x16xf32, #tpu.memory_space<vmem>> -> memref<16x16xf32, #tpu.memory_space<vmem>>
    tpu.wait_dma2 semaphore(%arg10 : memref<!tpu.dma_semaphore, #tpu.memory_space<semaphore_mem>>) src(%dma_wait3A_701 : memref<16x16xf32, #tpu.memory_space<vmem>>) dst(%dma_wait3A_697 : memref<16x16xf32, #tpu.memory_space<hbm>>)
    %dma_wait3A_702 = arith.constant 16 : i32
    %dma_wait3A_703 = arith.constant 0 : i32
    %dma_wait3A_704 = arith.constant 0 : i32
    %dma_wait3A_705 = tpu.memref_slice %arg8[%dma_wait3A_702, %dma_wait3A_703, %dma_wait3A_704] : memref<32x16x16xf32, #tpu.memory_space<vmem>> -> memref<1x16x16xf32, #tpu.memory_space<vmem>>
    %dma_wait3A_706 = tpu.memref_squeeze %dma_wait3A_705 : memref<1x16x16xf32, #tpu.memory_space<vmem>> -> memref<16x16xf32, #tpu.memory_space<vmem>>
    %dma_wait3A_707 = arith.constant 256 : i32
    %dma_wait3A_708 = tpu.memref_slice %arg5[%mul3A_255, %dma_wait3A_707] : memref<512x512xf32, #tpu.memory_space<hbm>> -> memref<16x16xf32, #tpu.memory_space<hbm>>
    %dma_wait3A_709 = arith.constant 256 : i32
    %dma_wait3A_710 = tpu.memref_slice %arg5[%mul3A_255, %dma_wait3A_709] : memref<512x512xf32, #tpu.memory_space<hbm>> -> memref<16x16xf32, #tpu.memory_space<hbm>>
    %dma_wait3A_711 = arith.constant 0 : i32
    %dma_wait3A_712 = arith.constant 0 : i32
    %dma_wait3A_713 = tpu.memref_slice %arg8[%dma_wait3A_702, %dma_wait3A_711, %dma_wait3A_712] : memref<32x16x16xf32, #tpu.memory_space<vmem>> -> memref<1x16x16xf32, #tpu.memory_space<vmem>>
    %dma_wait3A_714 = tpu.memref_squeeze %dma_wait3A_713 : memref<1x16x16xf32, #tpu.memory_space<vmem>> -> memref<16x16xf32, #tpu.memory_space<vmem>>
    tpu.wait_dma2 semaphore(%arg10 : memref<!tpu.dma_semaphore, #tpu.memory_space<semaphore_mem>>) src(%dma_wait3A_714 : memref<16x16xf32, #tpu.memory_space<vmem>>) dst(%dma_wait3A_710 : memref<16x16xf32, #tpu.memory_space<hbm>>)
    %dma_wait3A_715 = arith.constant 17 : i32
    %dma_wait3A_716 = arith.constant 0 : i32
    %dma_wait3A_717 = arith.constant 0 : i32
    %dma_wait3A_718 = tpu.memref_slice %arg8[%dma_wait3A_715, %dma_wait3A_716, %dma_wait3A_717] : memref<32x16x16xf32, #tpu.memory_space<vmem>> -> memref<1x16x16xf32, #tpu.memory_space<vmem>>
    %dma_wait3A_719 = tpu.memref_squeeze %dma_wait3A_718 : memref<1x16x16xf32, #tpu.memory_space<vmem>> -> memref<16x16xf32, #tpu.memory_space<vmem>>
    %dma_wait3A_720 = arith.constant 272 : i32
    %dma_wait3A_721 = tpu.memref_slice %arg5[%mul3A_270, %dma_wait3A_720] : memref<512x512xf32, #tpu.memory_space<hbm>> -> memref<16x16xf32, #tpu.memory_space<hbm>>
    %dma_wait3A_722 = arith.constant 272 : i32
    %dma_wait3A_723 = tpu.memref_slice %arg5[%mul3A_270, %dma_wait3A_722] : memref<512x512xf32, #tpu.memory_space<hbm>> -> memref<16x16xf32, #tpu.memory_space<hbm>>
    %dma_wait3A_724 = arith.constant 0 : i32
    %dma_wait3A_725 = arith.constant 0 : i32
    %dma_wait3A_726 = tpu.memref_slice %arg8[%dma_wait3A_715, %dma_wait3A_724, %dma_wait3A_725] : memref<32x16x16xf32, #tpu.memory_space<vmem>> -> memref<1x16x16xf32, #tpu.memory_space<vmem>>
    %dma_wait3A_727 = tpu.memref_squeeze %dma_wait3A_726 : memref<1x16x16xf32, #tpu.memory_space<vmem>> -> memref<16x16xf32, #tpu.memory_space<vmem>>
    tpu.wait_dma2 semaphore(%arg10 : memref<!tpu.dma_semaphore, #tpu.memory_space<semaphore_mem>>) src(%dma_wait3A_727 : memref<16x16xf32, #tpu.memory_space<vmem>>) dst(%dma_wait3A_723 : memref<16x16xf32, #tpu.memory_space<hbm>>)
    %dma_wait3A_728 = arith.constant 18 : i32
    %dma_wait3A_729 = arith.constant 0 : i32
    %dma_wait3A_730 = arith.constant 0 : i32
    %dma_wait3A_731 = tpu.memref_slice %arg8[%dma_wait3A_728, %dma_wait3A_729, %dma_wait3A_730] : memref<32x16x16xf32, #tpu.memory_space<vmem>> -> memref<1x16x16xf32, #tpu.memory_space<vmem>>
    %dma_wait3A_732 = tpu.memref_squeeze %dma_wait3A_731 : memref<1x16x16xf32, #tpu.memory_space<vmem>> -> memref<16x16xf32, #tpu.memory_space<vmem>>
    %dma_wait3A_733 = arith.constant 288 : i32
    %dma_wait3A_734 = tpu.memref_slice %arg5[%mul3A_285, %dma_wait3A_733] : memref<512x512xf32, #tpu.memory_space<hbm>> -> memref<16x16xf32, #tpu.memory_space<hbm>>
    %dma_wait3A_735 = arith.constant 288 : i32
    %dma_wait3A_736 = tpu.memref_slice %arg5[%mul3A_285, %dma_wait3A_735] : memref<512x512xf32, #tpu.memory_space<hbm>> -> memref<16x16xf32, #tpu.memory_space<hbm>>
    %dma_wait3A_737 = arith.constant 0 : i32
    %dma_wait3A_738 = arith.constant 0 : i32
    %dma_wait3A_739 = tpu.memref_slice %arg8[%dma_wait3A_728, %dma_wait3A_737, %dma_wait3A_738] : memref<32x16x16xf32, #tpu.memory_space<vmem>> -> memref<1x16x16xf32, #tpu.memory_space<vmem>>
    %dma_wait3A_740 = tpu.memref_squeeze %dma_wait3A_739 : memref<1x16x16xf32, #tpu.memory_space<vmem>> -> memref<16x16xf32, #tpu.memory_space<vmem>>
    tpu.wait_dma2 semaphore(%arg10 : memref<!tpu.dma_semaphore, #tpu.memory_space<semaphore_mem>>) src(%dma_wait3A_740 : memref<16x16xf32, #tpu.memory_space<vmem>>) dst(%dma_wait3A_736 : memref<16x16xf32, #tpu.memory_space<hbm>>)
    %dma_wait3A_741 = arith.constant 19 : i32
    %dma_wait3A_742 = arith.constant 0 : i32
    %dma_wait3A_743 = arith.constant 0 : i32
    %dma_wait3A_744 = tpu.memref_slice %arg8[%dma_wait3A_741, %dma_wait3A_742, %dma_wait3A_743] : memref<32x16x16xf32, #tpu.memory_space<vmem>> -> memref<1x16x16xf32, #tpu.memory_space<vmem>>
    %dma_wait3A_745 = tpu.memref_squeeze %dma_wait3A_744 : memref<1x16x16xf32, #tpu.memory_space<vmem>> -> memref<16x16xf32, #tpu.memory_space<vmem>>
    %dma_wait3A_746 = arith.constant 304 : i32
    %dma_wait3A_747 = tpu.memref_slice %arg5[%mul3A_300, %dma_wait3A_746] : memref<512x512xf32, #tpu.memory_space<hbm>> -> memref<16x16xf32, #tpu.memory_space<hbm>>
    %dma_wait3A_748 = arith.constant 304 : i32
    %dma_wait3A_749 = tpu.memref_slice %arg5[%mul3A_300, %dma_wait3A_748] : memref<512x512xf32, #tpu.memory_space<hbm>> -> memref<16x16xf32, #tpu.memory_space<hbm>>
    %dma_wait3A_750 = arith.constant 0 : i32
    %dma_wait3A_751 = arith.constant 0 : i32
    %dma_wait3A_752 = tpu.memref_slice %arg8[%dma_wait3A_741, %dma_wait3A_750, %dma_wait3A_751] : memref<32x16x16xf32, #tpu.memory_space<vmem>> -> memref<1x16x16xf32, #tpu.memory_space<vmem>>
    %dma_wait3A_753 = tpu.memref_squeeze %dma_wait3A_752 : memref<1x16x16xf32, #tpu.memory_space<vmem>> -> memref<16x16xf32, #tpu.memory_space<vmem>>
    tpu.wait_dma2 semaphore(%arg10 : memref<!tpu.dma_semaphore, #tpu.memory_space<semaphore_mem>>) src(%dma_wait3A_753 : memref<16x16xf32, #tpu.memory_space<vmem>>) dst(%dma_wait3A_749 : memref<16x16xf32, #tpu.memory_space<hbm>>)
    %dma_wait3A_754 = arith.constant 20 : i32
    %dma_wait3A_755 = arith.constant 0 : i32
    %dma_wait3A_756 = arith.constant 0 : i32
    %dma_wait3A_757 = tpu.memref_slice %arg8[%dma_wait3A_754, %dma_wait3A_755, %dma_wait3A_756] : memref<32x16x16xf32, #tpu.memory_space<vmem>> -> memref<1x16x16xf32, #tpu.memory_space<vmem>>
    %dma_wait3A_758 = tpu.memref_squeeze %dma_wait3A_757 : memref<1x16x16xf32, #tpu.memory_space<vmem>> -> memref<16x16xf32, #tpu.memory_space<vmem>>
    %dma_wait3A_759 = arith.constant 320 : i32
    %dma_wait3A_760 = tpu.memref_slice %arg5[%mul3A_315, %dma_wait3A_759] : memref<512x512xf32, #tpu.memory_space<hbm>> -> memref<16x16xf32, #tpu.memory_space<hbm>>
    %dma_wait3A_761 = arith.constant 320 : i32
    %dma_wait3A_762 = tpu.memref_slice %arg5[%mul3A_315, %dma_wait3A_761] : memref<512x512xf32, #tpu.memory_space<hbm>> -> memref<16x16xf32, #tpu.memory_space<hbm>>
    %dma_wait3A_763 = arith.constant 0 : i32
    %dma_wait3A_764 = arith.constant 0 : i32
    %dma_wait3A_765 = tpu.memref_slice %arg8[%dma_wait3A_754, %dma_wait3A_763, %dma_wait3A_764] : memref<32x16x16xf32, #tpu.memory_space<vmem>> -> memref<1x16x16xf32, #tpu.memory_space<vmem>>
    %dma_wait3A_766 = tpu.memref_squeeze %dma_wait3A_765 : memref<1x16x16xf32, #tpu.memory_space<vmem>> -> memref<16x16xf32, #tpu.memory_space<vmem>>
    tpu.wait_dma2 semaphore(%arg10 : memref<!tpu.dma_semaphore, #tpu.memory_space<semaphore_mem>>) src(%dma_wait3A_766 : memref<16x16xf32, #tpu.memory_space<vmem>>) dst(%dma_wait3A_762 : memref<16x16xf32, #tpu.memory_space<hbm>>)
    %dma_wait3A_767 = arith.constant 21 : i32
    %dma_wait3A_768 = arith.constant 0 : i32
    %dma_wait3A_769 = arith.constant 0 : i32
    %dma_wait3A_770 = tpu.memref_slice %arg8[%dma_wait3A_767, %dma_wait3A_768, %dma_wait3A_769] : memref<32x16x16xf32, #tpu.memory_space<vmem>> -> memref<1x16x16xf32, #tpu.memory_space<vmem>>
    %dma_wait3A_771 = tpu.memref_squeeze %dma_wait3A_770 : memref<1x16x16xf32, #tpu.memory_space<vmem>> -> memref<16x16xf32, #tpu.memory_space<vmem>>
    %dma_wait3A_772 = arith.constant 336 : i32
    %dma_wait3A_773 = tpu.memref_slice %arg5[%mul3A_330, %dma_wait3A_772] : memref<512x512xf32, #tpu.memory_space<hbm>> -> memref<16x16xf32, #tpu.memory_space<hbm>>
    %dma_wait3A_774 = arith.constant 336 : i32
    %dma_wait3A_775 = tpu.memref_slice %arg5[%mul3A_330, %dma_wait3A_774] : memref<512x512xf32, #tpu.memory_space<hbm>> -> memref<16x16xf32, #tpu.memory_space<hbm>>
    %dma_wait3A_776 = arith.constant 0 : i32
    %dma_wait3A_777 = arith.constant 0 : i32
    %dma_wait3A_778 = tpu.memref_slice %arg8[%dma_wait3A_767, %dma_wait3A_776, %dma_wait3A_777] : memref<32x16x16xf32, #tpu.memory_space<vmem>> -> memref<1x16x16xf32, #tpu.memory_space<vmem>>
    %dma_wait3A_779 = tpu.memref_squeeze %dma_wait3A_778 : memref<1x16x16xf32, #tpu.memory_space<vmem>> -> memref<16x16xf32, #tpu.memory_space<vmem>>
    tpu.wait_dma2 semaphore(%arg10 : memref<!tpu.dma_semaphore, #tpu.memory_space<semaphore_mem>>) src(%dma_wait3A_779 : memref<16x16xf32, #tpu.memory_space<vmem>>) dst(%dma_wait3A_775 : memref<16x16xf32, #tpu.memory_space<hbm>>)
    %dma_wait3A_780 = arith.constant 22 : i32
    %dma_wait3A_781 = arith.constant 0 : i32
    %dma_wait3A_782 = arith.constant 0 : i32
    %dma_wait3A_783 = tpu.memref_slice %arg8[%dma_wait3A_780, %dma_wait3A_781, %dma_wait3A_782] : memref<32x16x16xf32, #tpu.memory_space<vmem>> -> memref<1x16x16xf32, #tpu.memory_space<vmem>>
    %dma_wait3A_784 = tpu.memref_squeeze %dma_wait3A_783 : memref<1x16x16xf32, #tpu.memory_space<vmem>> -> memref<16x16xf32, #tpu.memory_space<vmem>>
    %dma_wait3A_785 = arith.constant 352 : i32
    %dma_wait3A_786 = tpu.memref_slice %arg5[%mul3A_345, %dma_wait3A_785] : memref<512x512xf32, #tpu.memory_space<hbm>> -> memref<16x16xf32, #tpu.memory_space<hbm>>
    %dma_wait3A_787 = arith.constant 352 : i32
    %dma_wait3A_788 = tpu.memref_slice %arg5[%mul3A_345, %dma_wait3A_787] : memref<512x512xf32, #tpu.memory_space<hbm>> -> memref<16x16xf32, #tpu.memory_space<hbm>>
    %dma_wait3A_789 = arith.constant 0 : i32
    %dma_wait3A_790 = arith.constant 0 : i32
    %dma_wait3A_791 = tpu.memref_slice %arg8[%dma_wait3A_780, %dma_wait3A_789, %dma_wait3A_790] : memref<32x16x16xf32, #tpu.memory_space<vmem>> -> memref<1x16x16xf32, #tpu.memory_space<vmem>>
    %dma_wait3A_792 = tpu.memref_squeeze %dma_wait3A_791 : memref<1x16x16xf32, #tpu.memory_space<vmem>> -> memref<16x16xf32, #tpu.memory_space<vmem>>
    tpu.wait_dma2 semaphore(%arg10 : memref<!tpu.dma_semaphore, #tpu.memory_space<semaphore_mem>>) src(%dma_wait3A_792 : memref<16x16xf32, #tpu.memory_space<vmem>>) dst(%dma_wait3A_788 : memref<16x16xf32, #tpu.memory_space<hbm>>)
    %dma_wait3A_793 = arith.constant 23 : i32
    %dma_wait3A_794 = arith.constant 0 : i32
    %dma_wait3A_795 = arith.constant 0 : i32
    %dma_wait3A_796 = tpu.memref_slice %arg8[%dma_wait3A_793, %dma_wait3A_794, %dma_wait3A_795] : memref<32x16x16xf32, #tpu.memory_space<vmem>> -> memref<1x16x16xf32, #tpu.memory_space<vmem>>
    %dma_wait3A_797 = tpu.memref_squeeze %dma_wait3A_796 : memref<1x16x16xf32, #tpu.memory_space<vmem>> -> memref<16x16xf32, #tpu.memory_space<vmem>>
    %dma_wait3A_798 = arith.constant 368 : i32
    %dma_wait3A_799 = tpu.memref_slice %arg5[%mul3A_360, %dma_wait3A_798] : memref<512x512xf32, #tpu.memory_space<hbm>> -> memref<16x16xf32, #tpu.memory_space<hbm>>
    %dma_wait3A_800 = arith.constant 368 : i32
    %dma_wait3A_801 = tpu.memref_slice %arg5[%mul3A_360, %dma_wait3A_800] : memref<512x512xf32, #tpu.memory_space<hbm>> -> memref<16x16xf32, #tpu.memory_space<hbm>>
    %dma_wait3A_802 = arith.constant 0 : i32
    %dma_wait3A_803 = arith.constant 0 : i32
    %dma_wait3A_804 = tpu.memref_slice %arg8[%dma_wait3A_793, %dma_wait3A_802, %dma_wait3A_803] : memref<32x16x16xf32, #tpu.memory_space<vmem>> -> memref<1x16x16xf32, #tpu.memory_space<vmem>>
    %dma_wait3A_805 = tpu.memref_squeeze %dma_wait3A_804 : memref<1x16x16xf32, #tpu.memory_space<vmem>> -> memref<16x16xf32, #tpu.memory_space<vmem>>
    tpu.wait_dma2 semaphore(%arg10 : memref<!tpu.dma_semaphore, #tpu.memory_space<semaphore_mem>>) src(%dma_wait3A_805 : memref<16x16xf32, #tpu.memory_space<vmem>>) dst(%dma_wait3A_801 : memref<16x16xf32, #tpu.memory_space<hbm>>)
    %dma_wait3A_806 = arith.constant 24 : i32
    %dma_wait3A_807 = arith.constant 0 : i32
    %dma_wait3A_808 = arith.constant 0 : i32
    %dma_wait3A_809 = tpu.memref_slice %arg8[%dma_wait3A_806, %dma_wait3A_807, %dma_wait3A_808] : memref<32x16x16xf32, #tpu.memory_space<vmem>> -> memref<1x16x16xf32, #tpu.memory_space<vmem>>
    %dma_wait3A_810 = tpu.memref_squeeze %dma_wait3A_809 : memref<1x16x16xf32, #tpu.memory_space<vmem>> -> memref<16x16xf32, #tpu.memory_space<vmem>>
    %dma_wait3A_811 = arith.constant 384 : i32
    %dma_wait3A_812 = tpu.memref_slice %arg5[%mul3A_375, %dma_wait3A_811] : memref<512x512xf32, #tpu.memory_space<hbm>> -> memref<16x16xf32, #tpu.memory_space<hbm>>
    %dma_wait3A_813 = arith.constant 384 : i32
    %dma_wait3A_814 = tpu.memref_slice %arg5[%mul3A_375, %dma_wait3A_813] : memref<512x512xf32, #tpu.memory_space<hbm>> -> memref<16x16xf32, #tpu.memory_space<hbm>>
    %dma_wait3A_815 = arith.constant 0 : i32
    %dma_wait3A_816 = arith.constant 0 : i32
    %dma_wait3A_817 = tpu.memref_slice %arg8[%dma_wait3A_806, %dma_wait3A_815, %dma_wait3A_816] : memref<32x16x16xf32, #tpu.memory_space<vmem>> -> memref<1x16x16xf32, #tpu.memory_space<vmem>>
    %dma_wait3A_818 = tpu.memref_squeeze %dma_wait3A_817 : memref<1x16x16xf32, #tpu.memory_space<vmem>> -> memref<16x16xf32, #tpu.memory_space<vmem>>
    tpu.wait_dma2 semaphore(%arg10 : memref<!tpu.dma_semaphore, #tpu.memory_space<semaphore_mem>>) src(%dma_wait3A_818 : memref<16x16xf32, #tpu.memory_space<vmem>>) dst(%dma_wait3A_814 : memref<16x16xf32, #tpu.memory_space<hbm>>)
    %dma_wait3A_819 = arith.constant 25 : i32
    %dma_wait3A_820 = arith.constant 0 : i32
    %dma_wait3A_821 = arith.constant 0 : i32
    %dma_wait3A_822 = tpu.memref_slice %arg8[%dma_wait3A_819, %dma_wait3A_820, %dma_wait3A_821] : memref<32x16x16xf32, #tpu.memory_space<vmem>> -> memref<1x16x16xf32, #tpu.memory_space<vmem>>
    %dma_wait3A_823 = tpu.memref_squeeze %dma_wait3A_822 : memref<1x16x16xf32, #tpu.memory_space<vmem>> -> memref<16x16xf32, #tpu.memory_space<vmem>>
    %dma_wait3A_824 = arith.constant 400 : i32
    %dma_wait3A_825 = tpu.memref_slice %arg5[%mul3A_390, %dma_wait3A_824] : memref<512x512xf32, #tpu.memory_space<hbm>> -> memref<16x16xf32, #tpu.memory_space<hbm>>
    %dma_wait3A_826 = arith.constant 400 : i32
    %dma_wait3A_827 = tpu.memref_slice %arg5[%mul3A_390, %dma_wait3A_826] : memref<512x512xf32, #tpu.memory_space<hbm>> -> memref<16x16xf32, #tpu.memory_space<hbm>>
    %dma_wait3A_828 = arith.constant 0 : i32
    %dma_wait3A_829 = arith.constant 0 : i32
    %dma_wait3A_830 = tpu.memref_slice %arg8[%dma_wait3A_819, %dma_wait3A_828, %dma_wait3A_829] : memref<32x16x16xf32, #tpu.memory_space<vmem>> -> memref<1x16x16xf32, #tpu.memory_space<vmem>>
    %dma_wait3A_831 = tpu.memref_squeeze %dma_wait3A_830 : memref<1x16x16xf32, #tpu.memory_space<vmem>> -> memref<16x16xf32, #tpu.memory_space<vmem>>
    tpu.wait_dma2 semaphore(%arg10 : memref<!tpu.dma_semaphore, #tpu.memory_space<semaphore_mem>>) src(%dma_wait3A_831 : memref<16x16xf32, #tpu.memory_space<vmem>>) dst(%dma_wait3A_827 : memref<16x16xf32, #tpu.memory_space<hbm>>)
    %dma_wait3A_832 = arith.constant 26 : i32
    %dma_wait3A_833 = arith.constant 0 : i32
    %dma_wait3A_834 = arith.constant 0 : i32
    %dma_wait3A_835 = tpu.memref_slice %arg8[%dma_wait3A_832, %dma_wait3A_833, %dma_wait3A_834] : memref<32x16x16xf32, #tpu.memory_space<vmem>> -> memref<1x16x16xf32, #tpu.memory_space<vmem>>
    %dma_wait3A_836 = tpu.memref_squeeze %dma_wait3A_835 : memref<1x16x16xf32, #tpu.memory_space<vmem>> -> memref<16x16xf32, #tpu.memory_space<vmem>>
    %dma_wait3A_837 = arith.constant 416 : i32
    %dma_wait3A_838 = tpu.memref_slice %arg5[%mul3A_405, %dma_wait3A_837] : memref<512x512xf32, #tpu.memory_space<hbm>> -> memref<16x16xf32, #tpu.memory_space<hbm>>
    %dma_wait3A_839 = arith.constant 416 : i32
    %dma_wait3A_840 = tpu.memref_slice %arg5[%mul3A_405, %dma_wait3A_839] : memref<512x512xf32, #tpu.memory_space<hbm>> -> memref<16x16xf32, #tpu.memory_space<hbm>>
    %dma_wait3A_841 = arith.constant 0 : i32
    %dma_wait3A_842 = arith.constant 0 : i32
    %dma_wait3A_843 = tpu.memref_slice %arg8[%dma_wait3A_832, %dma_wait3A_841, %dma_wait3A_842] : memref<32x16x16xf32, #tpu.memory_space<vmem>> -> memref<1x16x16xf32, #tpu.memory_space<vmem>>
    %dma_wait3A_844 = tpu.memref_squeeze %dma_wait3A_843 : memref<1x16x16xf32, #tpu.memory_space<vmem>> -> memref<16x16xf32, #tpu.memory_space<vmem>>
    tpu.wait_dma2 semaphore(%arg10 : memref<!tpu.dma_semaphore, #tpu.memory_space<semaphore_mem>>) src(%dma_wait3A_844 : memref<16x16xf32, #tpu.memory_space<vmem>>) dst(%dma_wait3A_840 : memref<16x16xf32, #tpu.memory_space<hbm>>)
    %dma_wait3A_845 = arith.constant 27 : i32
    %dma_wait3A_846 = arith.constant 0 : i32
    %dma_wait3A_847 = arith.constant 0 : i32
    %dma_wait3A_848 = tpu.memref_slice %arg8[%dma_wait3A_845, %dma_wait3A_846, %dma_wait3A_847] : memref<32x16x16xf32, #tpu.memory_space<vmem>> -> memref<1x16x16xf32, #tpu.memory_space<vmem>>
    %dma_wait3A_849 = tpu.memref_squeeze %dma_wait3A_848 : memref<1x16x16xf32, #tpu.memory_space<vmem>> -> memref<16x16xf32, #tpu.memory_space<vmem>>
    %dma_wait3A_850 = arith.constant 432 : i32
    %dma_wait3A_851 = tpu.memref_slice %arg5[%mul3A_420, %dma_wait3A_850] : memref<512x512xf32, #tpu.memory_space<hbm>> -> memref<16x16xf32, #tpu.memory_space<hbm>>
    %dma_wait3A_852 = arith.constant 432 : i32
    %dma_wait3A_853 = tpu.memref_slice %arg5[%mul3A_420, %dma_wait3A_852] : memref<512x512xf32, #tpu.memory_space<hbm>> -> memref<16x16xf32, #tpu.memory_space<hbm>>
    %dma_wait3A_854 = arith.constant 0 : i32
    %dma_wait3A_855 = arith.constant 0 : i32
    %dma_wait3A_856 = tpu.memref_slice %arg8[%dma_wait3A_845, %dma_wait3A_854, %dma_wait3A_855] : memref<32x16x16xf32, #tpu.memory_space<vmem>> -> memref<1x16x16xf32, #tpu.memory_space<vmem>>
    %dma_wait3A_857 = tpu.memref_squeeze %dma_wait3A_856 : memref<1x16x16xf32, #tpu.memory_space<vmem>> -> memref<16x16xf32, #tpu.memory_space<vmem>>
    tpu.wait_dma2 semaphore(%arg10 : memref<!tpu.dma_semaphore, #tpu.memory_space<semaphore_mem>>) src(%dma_wait3A_857 : memref<16x16xf32, #tpu.memory_space<vmem>>) dst(%dma_wait3A_853 : memref<16x16xf32, #tpu.memory_space<hbm>>)
    %dma_wait3A_858 = arith.constant 28 : i32
    %dma_wait3A_859 = arith.constant 0 : i32
    %dma_wait3A_860 = arith.constant 0 : i32
    %dma_wait3A_861 = tpu.memref_slice %arg8[%dma_wait3A_858, %dma_wait3A_859, %dma_wait3A_860] : memref<32x16x16xf32, #tpu.memory_space<vmem>> -> memref<1x16x16xf32, #tpu.memory_space<vmem>>
    %dma_wait3A_862 = tpu.memref_squeeze %dma_wait3A_861 : memref<1x16x16xf32, #tpu.memory_space<vmem>> -> memref<16x16xf32, #tpu.memory_space<vmem>>
    %dma_wait3A_863 = arith.constant 448 : i32
    %dma_wait3A_864 = tpu.memref_slice %arg5[%mul3A_435, %dma_wait3A_863] : memref<512x512xf32, #tpu.memory_space<hbm>> -> memref<16x16xf32, #tpu.memory_space<hbm>>
    %dma_wait3A_865 = arith.constant 448 : i32
    %dma_wait3A_866 = tpu.memref_slice %arg5[%mul3A_435, %dma_wait3A_865] : memref<512x512xf32, #tpu.memory_space<hbm>> -> memref<16x16xf32, #tpu.memory_space<hbm>>
    %dma_wait3A_867 = arith.constant 0 : i32
    %dma_wait3A_868 = arith.constant 0 : i32
    %dma_wait3A_869 = tpu.memref_slice %arg8[%dma_wait3A_858, %dma_wait3A_867, %dma_wait3A_868] : memref<32x16x16xf32, #tpu.memory_space<vmem>> -> memref<1x16x16xf32, #tpu.memory_space<vmem>>
    %dma_wait3A_870 = tpu.memref_squeeze %dma_wait3A_869 : memref<1x16x16xf32, #tpu.memory_space<vmem>> -> memref<16x16xf32, #tpu.memory_space<vmem>>
    tpu.wait_dma2 semaphore(%arg10 : memref<!tpu.dma_semaphore, #tpu.memory_space<semaphore_mem>>) src(%dma_wait3A_870 : memref<16x16xf32, #tpu.memory_space<vmem>>) dst(%dma_wait3A_866 : memref<16x16xf32, #tpu.memory_space<hbm>>)
    %dma_wait3A_871 = arith.constant 29 : i32
    %dma_wait3A_872 = arith.constant 0 : i32
    %dma_wait3A_873 = arith.constant 0 : i32
    %dma_wait3A_874 = tpu.memref_slice %arg8[%dma_wait3A_871, %dma_wait3A_872, %dma_wait3A_873] : memref<32x16x16xf32, #tpu.memory_space<vmem>> -> memref<1x16x16xf32, #tpu.memory_space<vmem>>
    %dma_wait3A_875 = tpu.memref_squeeze %dma_wait3A_874 : memref<1x16x16xf32, #tpu.memory_space<vmem>> -> memref<16x16xf32, #tpu.memory_space<vmem>>
    %dma_wait3A_876 = arith.constant 464 : i32
    %dma_wait3A_877 = tpu.memref_slice %arg5[%mul3A_450, %dma_wait3A_876] : memref<512x512xf32, #tpu.memory_space<hbm>> -> memref<16x16xf32, #tpu.memory_space<hbm>>
    %dma_wait3A_878 = arith.constant 464 : i32
    %dma_wait3A_879 = tpu.memref_slice %arg5[%mul3A_450, %dma_wait3A_878] : memref<512x512xf32, #tpu.memory_space<hbm>> -> memref<16x16xf32, #tpu.memory_space<hbm>>
    %dma_wait3A_880 = arith.constant 0 : i32
    %dma_wait3A_881 = arith.constant 0 : i32
    %dma_wait3A_882 = tpu.memref_slice %arg8[%dma_wait3A_871, %dma_wait3A_880, %dma_wait3A_881] : memref<32x16x16xf32, #tpu.memory_space<vmem>> -> memref<1x16x16xf32, #tpu.memory_space<vmem>>
    %dma_wait3A_883 = tpu.memref_squeeze %dma_wait3A_882 : memref<1x16x16xf32, #tpu.memory_space<vmem>> -> memref<16x16xf32, #tpu.memory_space<vmem>>
    tpu.wait_dma2 semaphore(%arg10 : memref<!tpu.dma_semaphore, #tpu.memory_space<semaphore_mem>>) src(%dma_wait3A_883 : memref<16x16xf32, #tpu.memory_space<vmem>>) dst(%dma_wait3A_879 : memref<16x16xf32, #tpu.memory_space<hbm>>)
    %dma_wait3A_884 = arith.constant 30 : i32
    %dma_wait3A_885 = arith.constant 0 : i32
    %dma_wait3A_886 = arith.constant 0 : i32
    %dma_wait3A_887 = tpu.memref_slice %arg8[%dma_wait3A_884, %dma_wait3A_885, %dma_wait3A_886] : memref<32x16x16xf32, #tpu.memory_space<vmem>> -> memref<1x16x16xf32, #tpu.memory_space<vmem>>
    %dma_wait3A_888 = tpu.memref_squeeze %dma_wait3A_887 : memref<1x16x16xf32, #tpu.memory_space<vmem>> -> memref<16x16xf32, #tpu.memory_space<vmem>>
    %dma_wait3A_889 = arith.constant 480 : i32
    %dma_wait3A_890 = tpu.memref_slice %arg5[%mul3A_465, %dma_wait3A_889] : memref<512x512xf32, #tpu.memory_space<hbm>> -> memref<16x16xf32, #tpu.memory_space<hbm>>
    %dma_wait3A_891 = arith.constant 480 : i32
    %dma_wait3A_892 = tpu.memref_slice %arg5[%mul3A_465, %dma_wait3A_891] : memref<512x512xf32, #tpu.memory_space<hbm>> -> memref<16x16xf32, #tpu.memory_space<hbm>>
    %dma_wait3A_893 = arith.constant 0 : i32
    %dma_wait3A_894 = arith.constant 0 : i32
    %dma_wait3A_895 = tpu.memref_slice %arg8[%dma_wait3A_884, %dma_wait3A_893, %dma_wait3A_894] : memref<32x16x16xf32, #tpu.memory_space<vmem>> -> memref<1x16x16xf32, #tpu.memory_space<vmem>>
    %dma_wait3A_896 = tpu.memref_squeeze %dma_wait3A_895 : memref<1x16x16xf32, #tpu.memory_space<vmem>> -> memref<16x16xf32, #tpu.memory_space<vmem>>
    tpu.wait_dma2 semaphore(%arg10 : memref<!tpu.dma_semaphore, #tpu.memory_space<semaphore_mem>>) src(%dma_wait3A_896 : memref<16x16xf32, #tpu.memory_space<vmem>>) dst(%dma_wait3A_892 : memref<16x16xf32, #tpu.memory_space<hbm>>)
    %dma_wait3A_897 = arith.constant 31 : i32
    %dma_wait3A_898 = arith.constant 0 : i32
    %dma_wait3A_899 = arith.constant 0 : i32
    %dma_wait3A_900 = tpu.memref_slice %arg8[%dma_wait3A_897, %dma_wait3A_898, %dma_wait3A_899] : memref<32x16x16xf32, #tpu.memory_space<vmem>> -> memref<1x16x16xf32, #tpu.memory_space<vmem>>
    %dma_wait3A_901 = tpu.memref_squeeze %dma_wait3A_900 : memref<1x16x16xf32, #tpu.memory_space<vmem>> -> memref<16x16xf32, #tpu.memory_space<vmem>>
    %dma_wait3A_902 = arith.constant 496 : i32
    %dma_wait3A_903 = tpu.memref_slice %arg5[%mul3A_480, %dma_wait3A_902] : memref<512x512xf32, #tpu.memory_space<hbm>> -> memref<16x16xf32, #tpu.memory_space<hbm>>
    %dma_wait3A_904 = arith.constant 496 : i32
    %dma_wait3A_905 = tpu.memref_slice %arg5[%mul3A_480, %dma_wait3A_904] : memref<512x512xf32, #tpu.memory_space<hbm>> -> memref<16x16xf32, #tpu.memory_space<hbm>>
    %dma_wait3A_906 = arith.constant 0 : i32
    %dma_wait3A_907 = arith.constant 0 : i32
    %dma_wait3A_908 = tpu.memref_slice %arg8[%dma_wait3A_897, %dma_wait3A_906, %dma_wait3A_907] : memref<32x16x16xf32, #tpu.memory_space<vmem>> -> memref<1x16x16xf32, #tpu.memory_space<vmem>>
    %dma_wait3A_909 = tpu.memref_squeeze %dma_wait3A_908 : memref<1x16x16xf32, #tpu.memory_space<vmem>> -> memref<16x16xf32, #tpu.memory_space<vmem>>
    tpu.wait_dma2 semaphore(%arg10 : memref<!tpu.dma_semaphore, #tpu.memory_space<semaphore_mem>>) src(%dma_wait3A_909 : memref<16x16xf32, #tpu.memory_space<vmem>>) dst(%dma_wait3A_905 : memref<16x16xf32, #tpu.memory_space<hbm>>)
    return
  }
}

module attributes {stable_mosaic.version = 14 : i64} {
  func.func @_assign_body(%arg0: i32, %arg1: memref<128x512xf32, #tpu.memory_space<vmem>>, %arg2: memref<1024x256xf32, #tpu.memory_space<vmem>>, %arg3: memref<128xi32, #tpu.memory_space<vmem>>, %arg4: memref<128xi32, #tpu.memory_space<vmem>>, %arg5: memref<256x1024xf32, #tpu.memory_space<vmem>>) attributes {dimension_semantics = [#tpu.dimension_semantics<arbitrary>], iteration_bounds = array<i64: 4>, scalar_prefetch = 0 : i64, scratch_operands = 1 : i64, tpu.core_type = #tpu.core_type<tc>, window_params = [{transform_indices = @transform_0, window_bounds = array<i64: 128, 512>}, {pipeline_mode = #tpu.pipeline_mode<synchronous>, transform_indices = @transform_1, window_bounds = array<i64: 1024, 256>}, {transform_indices = @transform_2, window_bounds = array<i64: 128>}, {transform_indices = @transform_3, window_bounds = array<i64: 128>}]} {
    %eq3A = arith.constant 0 : i32
    %eq3A_0 = arith.cmpi eq, %arg0, %eq3A : i32
    %convert_element_type3A = arith.extui %eq3A_0 : i1 to i32
    %cond3A = arith.constant 0 : i32
    %cond3A_1 = arith.cmpi ne, %convert_element_type3A, %cond3A : i32
    scf.if %cond3A_1 {
      %get3A_42 = arith.constant 0 : index
      %get3A_43 = arith.constant 0 : index
      %get3A_44 = vector.load %arg2[%get3A_42, %get3A_43] : memref<1024x256xf32, #tpu.memory_space<vmem>>, vector<1024x256xf32>
      %transpose3A = tpu.transpose %get3A_44, [1, 0] : vector<1024x256xf32> -> vector<256x1024xf32>
      %swap3A_45 = arith.constant 0 : index
      %swap3A_46 = arith.constant 0 : index
      %swap3A_47 = vector.load %arg5[%swap3A_45, %swap3A_46] : memref<256x1024xf32, #tpu.memory_space<vmem>>, vector<256x1024xf32>
      tpu.vector_store %arg5[%swap3A_45, %swap3A_46], %transpose3A {strides = array<i32>} : memref<256x1024xf32, #tpu.memory_space<vmem>>, vector<256x1024xf32>,
    } else {
    }
    %get3A = arith.constant 0 : index
    %get3A_2 = arith.constant 0 : index
    %get3A_3 = vector.load %arg1[%get3A, %get3A_2] : memref<128x512xf32, #tpu.memory_space<vmem>>, vector<128x512xf32>
    %get3A_4 = arith.constant 0 : index
    %get3A_5 = arith.constant 0 : index
    %get3A_6 = vector.load %arg5[%get3A_4, %get3A_5] : memref<256x1024xf32, #tpu.memory_space<vmem>>, vector<256x1024xf32>
    %mul3A = arith.mulf %get3A_6, %get3A_6 : vector<256x1024xf32>
    %reduce_sum3A = arith.constant dense<0.000000e+00> : vector<1024xf32>
    %reduce_sum3A_7 = vector.multi_reduction <add>, %mul3A, %reduce_sum3A [0] : vector<256x1024xf32> to vector<1024xf32>
    %slice3A = vector.extract_strided_slice %get3A_3 {offsets = [0, 0], sizes = [128, 256], strides = [1, 1]} : vector<128x512xf32> to vector<128x256xf32>
    %dot_general3A = arith.constant dense<0.000000e+00> : vector<128x1024xf32>
    %dot_general3A_8 = tpu.matmul %slice3A, %get3A_6, %dot_general3A {dimension_numbers = #tpu.dot_dimension_numbers<[1], [0], [0], [1], [0, 0, 1, 1], [], []>, precision = #tpu.contract_precision<fp32>, transpose_lhs_hint = false} : vector<128x256xf32>, vector<256x1024xf32>, vector<128x1024xf32> -> vector<128x1024xf32>
    %broadcast_in_dim3A = vector.shape_cast %reduce_sum3A_7 : vector<1024xf32> to vector<1x1024xf32>
    %mul3A_9 = arith.constant 2.000000e+00 : f32
    %mul3A_10 = vector.broadcast %mul3A_9 : f32 to vector<128x1024xf32>
    %mul3A_11 = arith.mulf %mul3A_10, %dot_general3A_8 : vector<128x1024xf32>
    %sub3A = vector.broadcast %broadcast_in_dim3A : vector<1x1024xf32> to vector<128x1024xf32>
    %sub3A_12 = arith.subf %sub3A, %mul3A_11 : vector<128x1024xf32>
    %reduce_min3A = arith.constant dense<0x7F800000> : vector<128xf32>
    %reduce_min3A_13 = vector.multi_reduction <minimumf>, %sub3A_12, %reduce_min3A [1] : vector<128x1024xf32> to vector<128xf32>
    %broadcast_in_dim3A_14 = vector.shape_cast %reduce_min3A_13 : vector<128xf32> to vector<128x1xf32>
    %iota3A = tpu.iota {dimensions = array<i32: 1>} : vector<128x1024xi32>
    %le3A = vector.broadcast %broadcast_in_dim3A_14 : vector<128x1xf32> to vector<128x1024xf32>
    %le3A_15 = arith.cmpf ole, %sub3A_12, %le3A : vector<128x1024xf32>
    %jit3A = arith.constant 1024 : i32
    %broadcast_in_dim3A_16 = vector.broadcast %jit3A : i32 to vector<128x1024xi32>
    %select_n3A = arith.select %le3A_15, %iota3A, %broadcast_in_dim3A_16 : vector<128x1024xi1>, vector<128x1024xi32>
    %reduce_min3A_17 = arith.constant dense<2147483647> : vector<128xi32>
    %reduce_min3A_18 = vector.multi_reduction <minsi>, %select_n3A, %reduce_min3A_17 [1] : vector<128x1024xi32> to vector<128xi32>
    %swap3A = arith.constant 0 : index
    %swap3A_19 = vector.load %arg3[%swap3A] : memref<128xi32, #tpu.memory_space<vmem>>, vector<128xi32>
    tpu.vector_store %arg3[%swap3A], %reduce_min3A_18 {strides = array<i32>} : memref<128xi32, #tpu.memory_space<vmem>>, vector<128xi32>,
    %slice3A_20 = vector.extract_strided_slice %get3A_3 {offsets = [0, 256], sizes = [128, 256], strides = [1, 1]} : vector<128x512xf32> to vector<128x256xf32>
    %dot_general3A_21 = arith.constant dense<0.000000e+00> : vector<128x1024xf32>
    %dot_general3A_22 = tpu.matmul %slice3A_20, %get3A_6, %dot_general3A_21 {dimension_numbers = #tpu.dot_dimension_numbers<[1], [0], [0], [1], [0, 0, 1, 1], [], []>, precision = #tpu.contract_precision<fp32>, transpose_lhs_hint = false} : vector<128x256xf32>, vector<256x1024xf32>, vector<128x1024xf32> -> vector<128x1024xf32>
    %broadcast_in_dim3A_23 = vector.shape_cast %reduce_sum3A_7 : vector<1024xf32> to vector<1x1024xf32>
    %mul3A_24 = arith.constant 2.000000e+00 : f32
    %mul3A_25 = vector.broadcast %mul3A_24 : f32 to vector<128x1024xf32>
    %mul3A_26 = arith.mulf %mul3A_25, %dot_general3A_22 : vector<128x1024xf32>
    %sub3A_27 = vector.broadcast %broadcast_in_dim3A_23 : vector<1x1024xf32> to vector<128x1024xf32>
    %sub3A_28 = arith.subf %sub3A_27, %mul3A_26 : vector<128x1024xf32>
    %reduce_min3A_29 = arith.constant dense<0x7F800000> : vector<128xf32>
    %reduce_min3A_30 = vector.multi_reduction <minimumf>, %sub3A_28, %reduce_min3A_29 [1] : vector<128x1024xf32> to vector<128xf32>
    %broadcast_in_dim3A_31 = vector.shape_cast %reduce_min3A_30 : vector<128xf32> to vector<128x1xf32>
    %iota3A_32 = tpu.iota {dimensions = array<i32: 1>} : vector<128x1024xi32>
    %le3A_33 = vector.broadcast %broadcast_in_dim3A_31 : vector<128x1xf32> to vector<128x1024xf32>
    %le3A_34 = arith.cmpf ole, %sub3A_28, %le3A_33 : vector<128x1024xf32>
    %jit3A_35 = arith.constant 1024 : i32
    %broadcast_in_dim3A_36 = vector.broadcast %jit3A_35 : i32 to vector<128x1024xi32>
    %select_n3A_37 = arith.select %le3A_34, %iota3A_32, %broadcast_in_dim3A_36 : vector<128x1024xi1>, vector<128x1024xi32>
    %reduce_min3A_38 = arith.constant dense<2147483647> : vector<128xi32>
    %reduce_min3A_39 = vector.multi_reduction <minsi>, %select_n3A_37, %reduce_min3A_38 [1] : vector<128x1024xi32> to vector<128xi32>
    %swap3A_40 = arith.constant 0 : index
    %swap3A_41 = vector.load %arg4[%swap3A_40] : memref<128xi32, #tpu.memory_space<vmem>>, vector<128xi32>
    tpu.vector_store %arg4[%swap3A_40], %reduce_min3A_39 {strides = array<i32>} : memref<128xi32, #tpu.memory_space<vmem>>, vector<128xi32>,
    return
  }
  func.func @transform_0(%arg0: i32) -> (i32, i32) {
    %c0_i32 = arith.constant 0 : i32
    %c0_i32_0 = arith.constant 0 : i32
    return %arg0, %c0_i32 : i32, i32
  }
  func.func @transform_1(%arg0: i32) -> (i32, i32) {
    %c0_i32 = arith.constant 0 : i32
    %c0_i32_0 = arith.constant 0 : i32
    %c0_i32_1 = arith.constant 0 : i32
    return %c0_i32, %c0_i32_0 : i32, i32
  }
  func.func @transform_2(%arg0: i32) -> i32 {
    %c0_i32 = arith.constant 0 : i32
    return %arg0 : i32
  }
  func.func @transform_3(%arg0: i32) -> i32 {
    %c0_i32 = arith.constant 0 : i32
    return %arg0 : i32
  }
}

</mosaic_0001>

<sc_bundles>
// kernel: kernel.4.cloned.1.call-start
scs
__scs_entry_jumppad:
0x0: {  	(pc) =	sbr.rel $0x88, $3  }
0x1: {  	(tag) =	ssettag $0x0;
	lr =	simm.s32 $0x1  }
0x2: {  	[smem:$0x3F9F] =	sst lr;
	_ =	strace $0xD0000000  }
0x3: {  	_ = 	snop  }
0x4: {  	_ = 	snop  }
0x5: {  	_ = 	snop  }
0x6: {  	_ = 	snop  }
0x7: {  	_ = 	snop  }
__scs_overlays_trampoline_lowered:
0x8: {  	[smem:$0x3FAE] =	sst s0  }
0x9: {  	[smem:$0x3FAF] =	sst s1  }
0xa: {  	[smem:$0x3FB0] =	sst s2  }
0xb: {  	[smem:$0x3FB1] =	sst s3  }
0xc: {  	[smem:$0x3FB2] =	sst s4  }
0xd: {  	[smem:$0x3FB3] =	sst s5  }
0xe: {  	[smem:$0x3FB4] =	sst s6  }
0xf: {  	[smem:$0x3FB5] =	sst s7  }
0x10: {  	[smem:$0x3FB6] =	sst s8  }
0x11: {  	[smem:$0x3FB7] =	sst s9;
	s0 =	simm.s32 @!p0 $0x0  }
0x12: {  	s1 =	sld [smem:$0x3F9D];
	s0 =	simm.s32 @p0 $0x1  }
0x13: {  	[smem:$0x3FB8] =	sst s0;
	s0 =	simm.s32 @!p1 $0x0  }
0x14: {  	s2 =	sld [smem:$0x3F9C];
	s0 =	simm.s32 @p1 $0x1  }
0x15: {  	[smem:$0x3FB9] =	sst s0;
	s0 =	simm.s32 @!p2 $0x0  }
0x16: {  	s3 =	sld [smem:$0x3FDB];
	s0 =	simm.s32 @p2 $0x1  }
0x17: {  	s4 =	simm.s32 $0x1BF5;
	[smem:$0x3FBB] =	sst s0  }
0x18: {  	s0 =	sld [smem:$0x3F9E];
	_ =	swait.ge [sflag:s4], $0x0  }
0x19: {  	s7 =	sld [smem:$0x3F9F]  }
0x1a: {  	s8 =	sadd.s32 $0xFFFFE003, lr  }
0x1b: {  	s9 =	sadd.s32 $0xFFFFFEF7, lr;
	s5 =	simm.s32 $0xFFFFFFFF;
	p2 =	slt.u32 s8, $0xFFFFF086  }
0x1c: {  	p1 =	slt.u32 s9, $0xF7A;
	s5 =	simm.s32 @!p2 $0x0  }
0x1d: {  	s5 =	simm.s32 @p1 $0x1;
	p0 =	seq.s32 s7, s2  }
0x1e: {  	s7 =	smul.u32 @!p0 $0xF7A, s2;
	p2 =	seq.s32 @!p0 s5, $0x0  }
0x1f: {  	s9 =	smul.u32 $0xF7A, s1;
	s8 =	simm.s32 @!p0 $0x1BF5;
	p2 =	por !p2, p0  }
0x20: {  	[sflag:s8] =	ssyncset.s32 @!p0 $0xFFFFF086;
	s6 =	sadd.s32 @!p0 s3, s7;
	s7 =	simm.s32 @!p0 $0x108  }
0x21: {  	s3 =	sadd.s32 s3, s9;
	s6 =	sadd.s32 @!p0 $0x88, s6;
	s7 =	simm.s32 @p2 $0x1082  }
0x22: {  	[simem:s7], [sflag:s8] =	dma.local @!p0 [hbm:s6], $0xF7A  }
0x23: {  	s9 =	sor.u32 $0xD0000000, s2;
	s6 =	simm.s32 $0x108;
	_ =	swait.ge @!p0 [sflag:s8], $0x0  }
0x24: {  	s3 =	sadd.s32 $0x88, s3;
	s6 =	simm.s32 @!p1 $0x1082;
	[sflag:s4] =	ssyncset.s32 $0xFFFFF086  }
0x25: {  	[simem:s6], [sflag:s4] =	dma.local [hbm:s3], $0xF7A  }
0x26: {  	[smem:$0x3F9F] =	sst s1;
	(tag) =	ssettag s2;
	_ =	strace s9  }
0x27: {  	s1 =	sld [smem:$0x3FAF]  }
0x28: {  	s2 =	sld [smem:$0x3FB0]  }
0x29: {  	s4 =	sld [smem:$0x3FB2]  }
0x2a: {  	p0 =	seq.s32 s5, $0x0;
	s5 =	sld [smem:$0x3FB3]  }
0x2b: {  	s6 =	sld [smem:$0x3FB4]  }
0x2c: {  	s7 =	sld [smem:$0x3FB5]  }
0x2d: {  	s3 =	simm.s32 $0x108;
	s8 =	sld [smem:$0x3FB6]  }
0x2e: {  	s3 =	simm.s32 @!p0 $0x1082;
	s9 =	sld [smem:$0x3FB7]  }
0x2f: {  	lr =	sadd.s32 s0, s3;
	s0 =	sld [smem:$0x3FAE]  }
0x30: {  	s3 =	sld [smem:$0x3FB1]  }
0x31: {  	[smem:$0x3FBA] =	sst s10  }
0x32: {  	s10 =	sld [smem:$0x3FB8];
	_ =	sdelay $0x3  }
0x33: {  	p0 =	seq.s32 s10, $0x1;
	s10 =	sld [smem:$0x3FBA];
	_ =	sdelay $0x3  }
0x34: {  	[smem:$0x3FBA] =	sst s10  }
0x35: {  	s10 =	sld [smem:$0x3FB9];
	_ =	sdelay $0x3  }
0x36: {  	p1 =	seq.s32 s10, $0x1;
	s10 =	sld [smem:$0x3FBA];
	_ =	sdelay $0x3  }
0x37: {  	[smem:$0x3FBA] =	sst s10  }
0x38: {  	s10 =	sld [smem:$0x3FBB]  }
0x39: {  	_ = 	snop;
	(pc) =	sbr.ind lr, $3  }
0x3a: {  	_ = 	snop  }
0x3b: {  	_ = 	snop  }
0x3c: {  	p2 =	seq.s32 s10, $0x1;
	s10 =	sld [smem:$0x3FBA]  }
0x3d: {  	_ =	shalt  }
0x3e: {  	_ =	shalt  }
0x3f: {  	_ =	shalt  }
0x40: {  	_ =	shalt  }
0x41: {  	_ =	shalt  }
0x42: {  	_ =	shalt  }
0x43: {  	_ =	shalt  }
0x44: {  	_ =	shalt  }
0x45: {  	_ =	shalt  }
0x46: {  	_ =	shalt  }
0x47: {  	_ =	shalt  }
0x48: {  	_ =	shalt  }
0x49: {  	_ =	shalt  }
0x4a: {  	_ =	shalt  }
0x4b: {  	_ =	shalt  }
0x4c: {  	_ =	shalt  }
0x4d: {  	_ =	shalt  }
0x4e: {  	_ =	shalt  }
0x4f: {  	_ =	shalt  }
0x50: {  	_ =	shalt  }
0x51: {  	_ =	shalt  }
0x52: {  	_ =	shalt  }
0x53: {  	_ =	shalt  }
0x54: {  	_ =	shalt  }
0x55: {  	_ =	shalt  }
0x56: {  	_ =	shalt  }
0x57: {  	_ =	shalt  }
0x58: {  	_ =	shalt  }
0x59: {  	_ =	shalt  }
0x5a: {  	_ =	shalt  }
0x5b: {  	_ =	shalt  }
0x5c: {  	_ =	shalt  }
0x5d: {  	_ =	shalt  }
0x5e: {  	_ =	shalt  }
0x5f: {  	_ =	shalt  }
0x60: {  	_ =	shalt  }
0x61: {  	_ =	shalt  }
0x62: {  	_ =	shalt  }
0x63: {  	_ =	shalt  }
0x64: {  	_ =	shalt  }
0x65: {  	_ =	shalt  }
0x66: {  	_ =	shalt  }
0x67: {  	_ =	shalt  }
0x68: {  	_ =	shalt  }
0x69: {  	_ =	shalt  }
0x6a: {  	_ =	shalt  }
0x6b: {  	_ =	shalt  }
0x6c: {  	_ =	shalt  }
0x6d: {  	_ =	shalt  }
0x6e: {  	_ =	shalt  }
0x6f: {  	_ =	shalt  }
0x70: {  	_ =	shalt  }
0x71: {  	_ =	shalt  }
0x72: {  	_ =	shalt  }
0x73: {  	_ =	shalt  }
0x74: {  	_ =	shalt  }
0x75: {  	_ =	shalt  }
0x76: {  	_ =	shalt  }
0x77: {  	_ =	shalt  }
0x78: {  	_ =	shalt  }
0x79: {  	_ =	shalt  }
0x7a: {  	_ =	shalt  }
0x7b: {  	_ =	shalt  }
0x7c: {  	_ =	shalt  }
0x7d: {  	_ =	shalt  }
0x7e: {  	_ =	shalt  }
0x7f: {  	_ =	shalt  }
0x80: {  	_ =	shalt  }
0x81: {  	_ =	shalt  }
0x82: {  	_ =	shalt  }
0x83: {  	_ =	shalt  }
0x84: {  	_ =	shalt  }
0x85: {  	_ =	shalt  }
0x86: {  	_ =	shalt  }
0x87: {  	_ =	shalt  }
.Lfunc_end0:
.L_simem_size_0:
called_computation_lowered:
.L_overlay_start_0:
0x88: {  	s2 =	sld [smem:$0x3FD9]  }
0x89: {  	s3 =	sld [smem:$0x3FFE];
	_ =	sdelay $0x1  }
0x8a: {  	s1 =	srdreg.scid  }
0x8b: {  	s0 =	sand.u32 $0x1, s1  }
0x8c: {  	s17 =	sshll.u32 s0, $0xA;
	s2 =	sadd.s32 s3, s2  }
0x8d: {  	s2 =	sadd.s32 s2, s17  }
0x8e: {  	[smem:$0x3FC6] =	sst s2  }
0x8f: {  	_ = 	snop  }
0x90: {  	s2 =	sld [smem:$0x3FC8]  }
0x91: {  	s18 =	sld [smem:$0x3FD0];
	(tm) =	ssettm $0x1  }
0x92: {  	s4 =	sld [smem:$0x3FFB];
	_ =	sdelay $0x3  }
0x93: {  	_ =	strace s4  }
0x94: {  	s4 =	sld [smem:$0x3FFC];
	_ =	sdelay $0x3  }
0x95: {  	_ =	strace s4  }
0x96: {  	s4 =	sld [smem:$0x3FFD];
	_ =	sdelay $0x3  }
0x97: {  	_ =	strace s4  }
0x98: {  	_ =	strace $0x8FFFFFFF  }
0x99: {  	s19 =	sld [smem:$0x3FDB];
	_ =	sdelay $0x1  }
0x9a: {  	s5 =	simm.s32 $_scs_section_size  }
0x9b: {  	s6 =	simm.s32 $_size__tile_overlayer_lowered;
	s7 =	simm.s32 $_tile_overlayer_lowered  }
0x9c: {  	s22 =	simm.s32 $0x1BFF;
	s21 =	sshll.u32 s7, $0x1;
	s4 =	sadd.s32 s5, s19  }
0x9d: {  	s8 =	simm.s32 $0x0;
	s20 =	sshll.u32 s6, $0x1;
	s6 =	sadd.s32 s21, s4  }
0x9e: {  	[timem:s8], [sflag:s22] =	dma.local [hbm:s6], s20  }
0x9f: {  	_ =	swait.ge [sflag:s22], s20  }
0xa0: {  	s5 =	ssub.s32 $0x0, s20;
	[sflag:s22] =	ssyncset.done $0x0  }
0xa1: {  	[sflag:s22] =	ssyncadd.s32 s5;
	_ =	sdelay $0x1  }
0xa2: {  	s23 =	simm.s32 $0x1B8B  }
0xa3: {  	_ =	swait.ge [sflag:s23], $0x1  }
0xa4: {  	[sflag:s23] =	ssyncset.done $0x0  }
0xa5: {  	s25 =	simm.s32 $0x1B8E;
	s24 =	sld [smem:$0x3FFE];
	[sflag:s23] =	ssyncadd.s32 $0xFFFFFFFF  }
0xa6: {  	s26 =	simm.s32 $execute0_lowered;
	[smem:$0x3FD2] =	sst s25  }
0xa7: {  	s6 =	sshll.u32 s26, $0x1;
	_ =	strace $0x80000046;
	[dreg:$0x1] =	wrdreg $0xFFFFFFFF  }
0xa8: {  	s28 =	simm.s32 $_size_execute0_lowered;
	s4 =	sadd.s32 s4, s6;
	[dreg:$0x0] =	wrdreg $0x0  }
0xa9: {  	s6 =	sshll.u32 s28, $0x1;
	[dreg:$0x2] =	wrdreg s4  }
0xaa: {  	[dreg:$0x3] =	wrdreg s6  }
0xab: {  	[dreg:$0x4] =	wrdreg $0xC0  }
0xac: {  	_ =	task [dreg:s8], $0x5FFFF  }
0xad: {  	[dreg:$0x1] =	wrdreg $0xFFFFFFFF  }
0xae: {  	[dreg:$0x0] =	wrdreg $0x60  }
0xaf: {  	[dreg:$0x2] =	wrdreg s2  }
0xb0: {  	[dreg:$0x3] =	wrdreg s24  }
0xb1: {  	[dreg:$0x4] =	wrdreg s18  }
0xb2: {  	[dreg:$0x5] =	wrdreg $0x9  }
0xb3: {  	_ =	task.clear_ibuf [dreg:s8], $0x6FFFF;
	_ =	strace $0x90000046  }
0xb4: {  	s29 =	simm.s32 $0x9;
	_ =	strace $0x80000048  }
0xb5: {  	_ =	swait.ge [sflag:s29], $0x1  }
0xb6: {  	[sflag:s29] =	ssyncadd.s32 $0xFFFFFFFF  }
0xb7: {  	_ =	strace $0x90000048  }
0xb8: {  	_ =	sfence  }
0xb9: {  	s30 =	sld [smem:$0x0];
	_ =	sdelay $0x2  }
0xba: {  	s31 =	sshll.u32 s1, $0xD;
	s1 =	sshrl.u32 s1, $0x2  }
0xbb: {  	s3 =	sand.u32 $0x4000, s31;
	s1 =	sadd.s32 s1, s30  }
0xbc: {  	s0 =	sor.u32 s3, s0;
	s1 =	sshll.u32 s1, $0x11  }
0xbd: {  	s0 =	sor.u32 s1, s0  }
0xbe: {  	s0 =	sadd.s32 $0x8F2B, s0  }
0xbf: {  	[sflag:s0] =	ssyncadd.remote.s32 $0x1  }
0xc0: {  	_ =	sfence.sel $0xFFFF  }
0xc1: {  	[dreg:$0x0] =	wrdreg $0xFFFFFFFF;
	(pc) =	sbr.abs _section_cstart, $3  }
0xc2: {  	[dreg:$0x1] =	wrdreg $0xFFFFFFFF  }
0xc3: {  	_ =	task.clear_ibuf [dreg:s8], $0x2FFFF;
	_ =	strace $0x9FFFFFFF  }
0xc4: {  	(tm) =	ssettm $0x7FFFFFFF  }
0xc5: {  	_ =	shalt  }
tec
execute0_lowered:
.L_overlay_start_1:
0x0: {  	(tag) =	ssettag $0x1  }
0x1: {  	s2 =	srdreg.scid  }
0x2: {  	s4 =	stileid.u32;
	s2 =	sand.u32 $0x1, s2  }
0x3: {  	s0 =	rddreg [dreg:$0x1];
	s4 =	sshll.u32 s4, $0x5;
	s5 =	sshll.u32 s2, $0x4  }
0x4: {  	s1 =	rddreg [dreg:$0x2];
	s3 =	simm.s32 $0x0;
	s4 =	sor.u32 s5, s4  }
0x5: {  	s10 =	simm.s32 $0x3;
	s11 =	simm.s32 $0x10;
	s5 =	sshrl.u32 s4, $0x3  }
0x6: {  	s12 =	simm.s32 $0x1;
	[smem:$0x7FF] =	sst s3;
	s0 =	sadd.s32 s5, s0  }
0x7: {  	_ =	strace $0x80000047;
	s4 =	sshll.u32 s4, $0x6;
	s14 =	sadd.s32 $0xC00, s0  }
0x8: {  	s5 =	sadd.s32 s1, s4;
	s0 =	sadd.s32 $0xE00, s0;
	[dreg:$0x4] =	wrdreg s14  }
0x9: {  	s2 =	ssub.s32 $0x2, s2;
	s15 =	sadd.s32 $0x2, s5;
	[dreg:$0x5] =	wrdreg s0  }
0xa: {  	s13 =	sshrl.u32 s2, $0x1;
	s16 =	sadd.s32 $0x4, s5;
	[dreg:$0x6] =	wrdreg s15  }
0xb: {  	s2 =	ssub.s32 s2, s13;
	s17 =	sadd.s32 $0x6, s5;
	[dreg:$0x7] =	wrdreg s16  }
0xc: {  	s13 =	simm.s32 $0x200;
	s18 =	sadd.s32 $0x8, s5;
	[dreg:$0x8] =	wrdreg s17  }
0xd: {  	s19 =	sadd.s32 $0xA, s5;
	s20 =	sadd.s32 $0xC, s5;
	[dreg:$0x9] =	wrdreg s18  }
0xe: {  	s21 =	sadd.s32 $0xE, s5;
	s22 =	sadd.s32 $0x10, s5;
	[dreg:$0xa] =	wrdreg s19  }
0xf: {  	s23 =	sadd.s32 $0x12, s5;
	s24 =	sadd.s32 $0x14, s5;
	[dreg:$0xb] =	wrdreg s20  }
0x10: {  	s25 =	sadd.s32 $0x16, s5;
	s26 =	sadd.s32 $0x18, s5;
	[dreg:$0xc] =	wrdreg s21  }
0x11: {  	s28 =	sadd.s32 $0x28, s5;
	s29 =	sadd.s32 $0x2A, s5;
	[dreg:$0xd] =	wrdreg s22  }
0x12: {  	s30 =	sadd.s32 $0x2C, s5;
	s31 =	sadd.s32 $0x2E, s5;
	[dreg:$0xe] =	wrdreg s23  }
0x13: {  	s1 =	sadd.s32 $0x34, s5;
	s4 =	sadd.s32 $0x36, s5;
	[dreg:$0xf] =	wrdreg s24  }
0x14: {  	s6 =	sadd.s32 $0x38, s5;
	s7 =	sadd.s32 $0x3A, s5;
	[dreg:$0x10] =	wrdreg s25  }
0x15: {  	s8 =	sadd.s32 $0x3C, s5;
	s9 =	sadd.s32 $0x3E, s5;
	[dreg:$0x11] =	wrdreg s26  }
0x16: {  	s19 =	sadd.s32 $0x1A, s5;
	s20 =	sadd.s32 $0x1C, s5;
	s21 =	sadd.s32 $0x1E, s5  }
0x17: {  	s22 =	sadd.s32 $0x20, s5;
	s23 =	sadd.s32 $0x22, s5;
	s24 =	sadd.s32 $0x24, s5  }
0x18: {  	s25 =	smax.u32 s2, $0x1;
	s26 =	sadd.s32 $0x26, s5;
	s0 =	sadd.s32 $0x30, s5  }
0x19: {  	s2 =	sadd.s32 $0x32, s5;
	s14 =	simm.s32 $0x2;
	s15 =	simm.s32 $0x0  }
.LBB2_1:
0x1a: {  	s16 =	rddreg [dreg:$0x4]  }
0x1b: {  	[tilespmem:s3], [sflag:$0x3] =	stream.linear.gather [hbm4b:s16+s3], $0x10, $0x38;
	[tilespmem:$0x4020] =	vst v63  }
0x1c: {  	_ =	swait.ge [sflag:s10], $0x10  }
0x1d: {  	[sflag:s10] =	ssyncset.done $0x0  }
0x1e: {  	s17 =	rddreg [dreg:$0x5];
	[sflag:s10] =	ssyncadd.s32 $0xFFFFFFF0  }
0x1f: {  	[tilespmem:s11], [sflag:$0x3] =	stream.linear.gather [hbm4b:s17+s3], $0x10, $0x38;
	[tilespmem:$0x4020] =	vst v63  }
0x20: {  	_ =	swait.ge [sflag:s10], $0x10  }
0x21: {  	[sflag:s10] =	ssyncset.done $0x0  }
0x22: {  	[sflag:s10] =	ssyncadd.s32 $0xFFFFFFF0  }
0x23: {  	s17 =	simm.s32 $0x20;
	s18 =	rddreg [dreg:$0x0]  }
0x24: {  	[tilespmem:s17], [sflag:$0x1] =	stream.indirect.gather [hbm4b:s18+s17], $0x100, s3, s17, $0xb8;
	[tilespmem:$0x4020] =	vst v63  }
0x25: {  	_ =	swait.ge [sflag:s12], $0x2000  }
0x26: {  	[sflag:s12] =	ssyncset.done $0x0  }
0x27: {  	s16 =	simm.s32 $0x0;
	[sflag:s12] =	ssyncadd.s32 $0xFFFFE000  }
0x28: {  	v0 =	vld [tilespmem:s16+$0x110]  }
0x29: {  	v1 =	vld [tilespmem:s16+$0x20]  }
0x2a: {  	v2 =	vld [tilespmem:s16+$0x30]  }
0x2b: {  	v3 =	vld [tilespmem:s16+$0x40]  }
0x2c: {  	v4 =	vld [tilespmem:s16+$0x50]  }
0x2d: {  	v5 =	vld [tilespmem:s16+$0x60];
	[tilespmem:s16+$0x2110] =	vst v0  }
0x2e: {  	[tilespmem:s16+$0x2020] =	vst v1;
	v0 =	vld [tilespmem:s16+$0x70]  }
0x2f: {  	[tilespmem:s16+$0x2030] =	vst v2;
	v1 =	vld [tilespmem:s16+$0x80]  }
0x30: {  	[tilespmem:s16+$0x2040] =	vst v3;
	v2 =	vld [tilespmem:s16+$0x90]  }
0x31: {  	[tilespmem:s16+$0x2050] =	vst v4;
	v3 =	vld [tilespmem:s16+$0xA0]  }
0x32: {  	[tilespmem:s16+$0x2060] =	vst v5;
	v4 =	vld [tilespmem:s16+$0xB0]  }
0x33: {  	[tilespmem:s16+$0x2070] =	vst v0;
	v0 =	vld [tilespmem:s16+$0xC0]  }
0x34: {  	[tilespmem:s16+$0x2080] =	vst v1;
	v1 =	vld [tilespmem:s16+$0xD0]  }
0x35: {  	[tilespmem:s16+$0x2090] =	vst v2;
	v2 =	vld [tilespmem:s16+$0xE0]  }
0x36: {  	[tilespmem:s16+$0x20A0] =	vst v3;
	v3 =	vld [tilespmem:s16+$0xF0]  }
0x37: {  	s17 =	simm.s32 $0x100;
	s18 =	simm.s32 $0x800;
	[tilespmem:s16+$0x20B0] =	vst v4;
	v4 =	vld [tilespmem:s16+$0x100]  }
.LBB2_2:
0x38: {  	p0 =	sne.s32 s18, $0x7C00;
	v5 =	vld [tilespmem:s17+$0x110];
	[tilespmem:s16+$0x20C0] =	vst v0  }
0x39: {  	v0 =	vld [tilespmem:s17+$0x20];
	[tilespmem:s16+$0x20D0] =	vst v1  }
0x3a: {  	v1 =	vld [tilespmem:s17+$0x30];
	[tilespmem:s16+$0x20E0] =	vst v2  }
0x3b: {  	v2 =	vld [tilespmem:s17+$0x40];
	[tilespmem:s16+$0x20F0] =	vst v3  }
0x3c: {  	v3 =	vld [tilespmem:s17+$0x50];
	[tilespmem:s16+$0x2100] =	vst v4;
	s16 =	smov.u32 s17  }
0x3d: {  	v4 =	vld [tilespmem:s16+$0x60];
	[tilespmem:s16+$0x2110] =	vst v5  }
0x3e: {  	[tilespmem:s16+$0x2020] =	vst v0;
	v0 =	vld [tilespmem:s16+$0x70]  }
0x3f: {  	[tilespmem:s16+$0x2030] =	vst v1;
	v1 =	vld [tilespmem:s16+$0x80]  }
0x40: {  	[tilespmem:s16+$0x2040] =	vst v2;
	v2 =	vld [tilespmem:s16+$0x90]  }
0x41: {  	[tilespmem:s16+$0x2050] =	vst v3;
	v3 =	vld [tilespmem:s16+$0xA0]  }
0x42: {  	[tilespmem:s16+$0x2060] =	vst v4;
	v4 =	vld [tilespmem:s16+$0xB0]  }
.Ltmp0:
0x43: {  	[tilespmem:s16+$0x2070] =	vst v0;
	v0 =	vld [tilespmem:s16+$0xC0];
	(pc) =	sbr.rel @p0 .LBB2_2-.Ltmp0, $4  }
0x44: {  	[tilespmem:s16+$0x2080] =	vst v1;
	v1 =	vld [tilespmem:s16+$0xD0]  }
0x45: {  	[tilespmem:s16+$0x2090] =	vst v2;
	v2 =	vld [tilespmem:s16+$0xE0]  }
0x46: {  	[tilespmem:s16+$0x20A0] =	vst v3;
	v3 =	vld [tilespmem:s16+$0xF0]  }
0x47: {  	s17 =	sshra.s32 s18, $0x2;
	s18 =	sadd.s32 $0x400, s18;
	[tilespmem:s16+$0x20B0] =	vst v4;
	v4 =	vld [tilespmem:s16+$0x100]  }
0x48: {  	v5 =	vld [tilespmem:s17+$0x110];
	[tilespmem:s16+$0x20C0] =	vst v0  }
0x49: {  	v0 =	vld [tilespmem:s17+$0x20];
	[tilespmem:s16+$0x20D0] =	vst v1  }
0x4a: {  	v1 =	vld [tilespmem:s17+$0x30];
	[tilespmem:s16+$0x20E0] =	vst v2  }
0x4b: {  	v2 =	vld [tilespmem:s17+$0x40];
	[tilespmem:s16+$0x20F0] =	vst v3  }
0x4c: {  	v3 =	vld [tilespmem:s17+$0x50];
	[tilespmem:s16+$0x2100] =	vst v4  }
0x4d: {  	v4 =	vld [tilespmem:s17+$0x60];
	[tilespmem:s17+$0x2110] =	vst v5  }
0x4e: {  	v54 =	vld [tilespmem:s17+$0x70];
	[tilespmem:s17+$0x2020] =	vst v0  }
0x4f: {  	v55 =	vld [tilespmem:s17+$0x80];
	[tilespmem:s17+$0x2030] =	vst v1  }
0x50: {  	v56 =	vld [tilespmem:s17+$0x90];
	[tilespmem:s17+$0x2040] =	vst v2  }
0x51: {  	v57 =	vld [tilespmem:s17+$0xA0];
	[tilespmem:s17+$0x2050] =	vst v3  }
0x52: {  	v58 =	vld [tilespmem:s17+$0xB0];
	[tilespmem:s17+$0x2060] =	vst v4  }
0x53: {  	v59 =	vld [tilespmem:s17+$0xC0];
	[tilespmem:s17+$0x2070] =	vst v54  }
0x54: {  	v60 =	vld [tilespmem:s17+$0xD0];
	[tilespmem:s17+$0x2080] =	vst v55  }
0x55: {  	v61 =	vld [tilespmem:s17+$0xE0];
	[tilespmem:s17+$0x2090] =	vst v56  }
0x56: {  	v62 =	vld [tilespmem:s17+$0xF0];
	[tilespmem:s17+$0x20A0] =	vst v57  }
0x57: {  	v63 =	vld [tilespmem:s17+$0x100];
	[tilespmem:s17+$0x20B0] =	vst v58  }
0x58: {  	[tilespmem:s17+$0x20C0] =	vst v59  }
0x59: {  	[tilespmem:s17+$0x20D0] =	vst v60  }
0x5a: {  	[tilespmem:s17+$0x20E0] =	vst v61  }
0x5b: {  	[tilespmem:s17+$0x20F0] =	vst v62  }
0x5c: {  	s18 =	simm.s32 $0x2020;
	[tilespmem:s17+$0x2100] =	vst v63  }
0x5d: {  	[hbm4b:s5+s11] =	stream.strided.scatter [tilespmem:s18], [sflag:$0x2], $0x100, s13, s11, $0x38;
	[tilespmem:$0x4020] =	vst v63  }
0x5e: {  	s17 =	rddreg [dreg:$0x6];
	s18 =	simm.s32 $0x2120  }
0x5f: {  	[hbm4b:s17+s11] =	stream.strided.scatter [tilespmem:s18], [sflag:$0x2], $0x100, s13, s11, $0x38;
	[tilespmem:$0x4020] =	vst v63  }
0x60: {  	s17 =	rddreg [dreg:$0x7];
	s18 =	simm.s32 $0x2220  }
0x61: {  	[hbm4b:s17+s11] =	stream.strided.scatter [tilespmem:s18], [sflag:$0x2], $0x100, s13, s11, $0x38;
	[tilespmem:$0x4020] =	vst v63  }
0x62: {  	s17 =	rddreg [dreg:$0x8];
	s18 =	simm.s32 $0x2320  }
0x63: {  	[hbm4b:s17+s11] =	stream.strided.scatter [tilespmem:s18], [sflag:$0x2], $0x100, s13, s11, $0x38;
	[tilespmem:$0x4020] =	vst v63  }
0x64: {  	s17 =	rddreg [dreg:$0x9];
	s18 =	simm.s32 $0x2420  }
0x65: {  	[hbm4b:s17+s11] =	stream.strided.scatter [tilespmem:s18], [sflag:$0x2], $0x100, s13, s11, $0x38;
	[tilespmem:$0x4020] =	vst v63  }
0x66: {  	s17 =	rddreg [dreg:$0xa];
	s18 =	simm.s32 $0x2520  }
0x67: {  	[hbm4b:s17+s11] =	stream.strided.scatter [tilespmem:s18], [sflag:$0x2], $0x100, s13, s11, $0x38;
	[tilespmem:$0x4020] =	vst v63  }
0x68: {  	s17 =	rddreg [dreg:$0xb];
	s18 =	simm.s32 $0x2620  }
0x69: {  	[hbm4b:s17+s11] =	stream.strided.scatter [tilespmem:s18], [sflag:$0x2], $0x100, s13, s11, $0x38;
	[tilespmem:$0x4020] =	vst v63  }
0x6a: {  	s17 =	rddreg [dreg:$0xc];
	s18 =	simm.s32 $0x2720  }
0x6b: {  	[hbm4b:s17+s11] =	stream.strided.scatter [tilespmem:s18], [sflag:$0x2], $0x100, s13, s11, $0x38;
	[tilespmem:$0x4020] =	vst v63  }
0x6c: {  	s17 =	rddreg [dreg:$0xd];
	s18 =	simm.s32 $0x2820  }
0x6d: {  	[hbm4b:s17+s11] =	stream.strided.scatter [tilespmem:s18], [sflag:$0x2], $0x100, s13, s11, $0x38;
	[tilespmem:$0x4020] =	vst v63  }
0x6e: {  	s17 =	rddreg [dreg:$0xe];
	s18 =	simm.s32 $0x2920  }
0x6f: {  	[hbm4b:s17+s11] =	stream.strided.scatter [tilespmem:s18], [sflag:$0x2], $0x100, s13, s11, $0x38;
	[tilespmem:$0x4020] =	vst v63  }
0x70: {  	s17 =	rddreg [dreg:$0xf];
	s18 =	simm.s32 $0x2A20  }
0x71: {  	[hbm4b:s17+s11] =	stream.strided.scatter [tilespmem:s18], [sflag:$0x2], $0x100, s13, s11, $0x38;
	[tilespmem:$0x4020] =	vst v63  }
0x72: {  	s17 =	rddreg [dreg:$0x10];
	s18 =	simm.s32 $0x2B20  }
0x73: {  	[hbm4b:s17+s11] =	stream.strided.scatter [tilespmem:s18], [sflag:$0x2], $0x100, s13, s11, $0x38;
	[tilespmem:$0x4020] =	vst v63  }
0x74: {  	s17 =	rddreg [dreg:$0x11];
	s18 =	simm.s32 $0x2C20  }
0x75: {  	[hbm4b:s17+s11] =	stream.strided.scatter [tilespmem:s18], [sflag:$0x2], $0x100, s13, s11, $0x38;
	[tilespmem:$0x4020] =	vst v63  }
0x76: {  	s18 =	simm.s32 $0x2D20  }
0x77: {  	[hbm4b:s19+s11] =	stream.strided.scatter [tilespmem:s18], [sflag:$0x2], $0x100, s13, s11, $0x38;
	[tilespmem:$0x4020] =	vst v63  }
0x78: {  	s17 =	simm.s32 $0x2E20  }
0x79: {  	[hbm4b:s20+s11] =	stream.strided.scatter [tilespmem:s17], [sflag:$0x2], $0x100, s13, s11, $0x38;
	[tilespmem:$0x4020] =	vst v63  }
0x7a: {  	s18 =	simm.s32 $0x2F20  }
0x7b: {  	[hbm4b:s21+s11] =	stream.strided.scatter [tilespmem:s18], [sflag:$0x2], $0x100, s13, s11, $0x38;
	[tilespmem:$0x4020] =	vst v63  }
0x7c: {  	s17 =	simm.s32 $0x3020  }
0x7d: {  	[hbm4b:s22+s11] =	stream.strided.scatter [tilespmem:s17], [sflag:$0x2], $0x100, s13, s11, $0x38;
	[tilespmem:$0x4020] =	vst v63  }
0x7e: {  	s18 =	simm.s32 $0x3120  }
0x7f: {  	[hbm4b:s23+s11] =	stream.strided.scatter [tilespmem:s18], [sflag:$0x2], $0x100, s13, s11, $0x38;
	[tilespmem:$0x4020] =	vst v63  }
0x80: {  	s17 =	simm.s32 $0x3220  }
0x81: {  	[hbm4b:s24+s11] =	stream.strided.scatter [tilespmem:s17], [sflag:$0x2], $0x100, s13, s11, $0x38;
	[tilespmem:$0x4020] =	vst v63  }
0x82: {  	s18 =	simm.s32 $0x3320  }
0x83: {  	[hbm4b:s26+s11] =	stream.strided.scatter [tilespmem:s18], [sflag:$0x2], $0x100, s13, s11, $0x38;
	[tilespmem:$0x4020] =	vst v63  }
0x84: {  	s17 =	simm.s32 $0x3420  }
0x85: {  	[hbm4b:s28+s11] =	stream.strided.scatter [tilespmem:s17], [sflag:$0x2], $0x100, s13, s11, $0x38;
	[tilespmem:$0x4020] =	vst v63  }
0x86: {  	s18 =	simm.s32 $0x3520  }
0x87: {  	[hbm4b:s29+s11] =	stream.strided.scatter [tilespmem:s18], [sflag:$0x2], $0x100, s13, s11, $0x38;
	[tilespmem:$0x4020] =	vst v63  }
0x88: {  	s17 =	simm.s32 $0x3620  }
0x89: {  	[hbm4b:s30+s11] =	stream.strided.scatter [tilespmem:s17], [sflag:$0x2], $0x100, s13, s11, $0x38;
	[tilespmem:$0x4020] =	vst v63  }
0x8a: {  	s18 =	simm.s32 $0x3720  }
0x8b: {  	[hbm4b:s31+s11] =	stream.strided.scatter [tilespmem:s18], [sflag:$0x2], $0x100, s13, s11, $0x38;
	[tilespmem:$0x4020] =	vst v63  }
0x8c: {  	s17 =	simm.s32 $0x3820  }
0x8d: {  	[hbm4b:s0+s11] =	stream.strided.scatter [tilespmem:s17], [sflag:$0x2], $0x100, s13, s11, $0x38;
	[tilespmem:$0x4020] =	vst v63  }
0x8e: {  	s18 =	simm.s32 $0x3920  }
0x8f: {  	[hbm4b:s2+s11] =	stream.strided.scatter [tilespmem:s18], [sflag:$0x2], $0x100, s13, s11, $0x38;
	[tilespmem:$0x4020] =	vst v63  }
0x90: {  	s17 =	simm.s32 $0x3A20  }
0x91: {  	[hbm4b:s1+s11] =	stream.strided.scatter [tilespmem:s17], [sflag:$0x2], $0x100, s13, s11, $0x38;
	[tilespmem:$0x4020] =	vst v63  }
0x92: {  	s18 =	simm.s32 $0x3B20  }
0x93: {  	[hbm4b:s4+s11] =	stream.strided.scatter [tilespmem:s18], [sflag:$0x2], $0x100, s13, s11, $0x38;
	[tilespmem:$0x4020] =	vst v63  }
0x94: {  	s17 =	simm.s32 $0x3C20  }
0x95: {  	[hbm4b:s6+s11] =	stream.strided.scatter [tilespmem:s17], [sflag:$0x2], $0x100, s13, s11, $0x38;
	[tilespmem:$0x4020] =	vst v63  }
0x96: {  	s18 =	simm.s32 $0x3D20  }
0x97: {  	[hbm4b:s7+s11] =	stream.strided.scatter [tilespmem:s18], [sflag:$0x2], $0x100, s13, s11, $0x38;
	[tilespmem:$0x4020] =	vst v63  }
0x98: {  	s17 =	simm.s32 $0x3E20  }
0x99: {  	[hbm4b:s8+s11] =	stream.strided.scatter [tilespmem:s17], [sflag:$0x2], $0x100, s13, s11, $0x38;
	[tilespmem:$0x4020] =	vst v63  }
0x9a: {  	s18 =	simm.s32 $0x3F20  }
0x9b: {  	[hbm4b:s9+s11] =	stream.strided.scatter [tilespmem:s18], [sflag:$0x2], $0x100, s13, s11, $0x38;
	[tilespmem:$0x4020] =	vst v63  }
0x9c: {  	_ =	swait.ge [sflag:s14], $0x100  }
0x9d: {  	[sflag:s14] =	ssyncset.done $0x0  }
0x9e: {  	[sflag:s14] =	ssyncadd.s32 $0xFFFFFF00  }
0x9f: {  	_ =	swait.ge [sflag:s14], $0x100  }
0xa0: {  	[sflag:s14] =	ssyncset.done $0x0  }
0xa1: {  	[sflag:s14] =	ssyncadd.s32 $0xFFFFFF00  }
0xa2: {  	_ =	swait.ge [sflag:s14], $0x100  }
0xa3: {  	[sflag:s14] =	ssyncset.done $0x0  }
0xa4: {  	[sflag:s14] =	ssyncadd.s32 $0xFFFFFF00  }
0xa5: {  	_ =	swait.ge [sflag:s14], $0x100  }
0xa6: {  	[sflag:s14] =	ssyncset.done $0x0  }
0xa7: {  	[sflag:s14] =	ssyncadd.s32 $0xFFFFFF00  }
0xa8: {  	_ =	swait.ge [sflag:s14], $0x100  }
0xa9: {  	[sflag:s14] =	ssyncset.done $0x0  }
0xaa: {  	[sflag:s14] =	ssyncadd.s32 $0xFFFFFF00  }
0xab: {  	_ =	swait.ge [sflag:s14], $0x100  }
0xac: {  	[sflag:s14] =	ssyncset.done $0x0  }
0xad: {  	[sflag:s14] =	ssyncadd.s32 $0xFFFFFF00  }
0xae: {  	_ =	swait.ge [sflag:s14], $0x100  }
0xaf: {  	[sflag:s14] =	ssyncset.done $0x0  }
0xb0: {  	[sflag:s14] =	ssyncadd.s32 $0xFFFFFF00  }
0xb1: {  	_ =	swait.ge [sflag:s14], $0x100  }
0xb2: {  	[sflag:s14] =	ssyncset.done $0x0  }
0xb3: {  	[sflag:s14] =	ssyncadd.s32 $0xFFFFFF00  }
0xb4: {  	_ =	swait.ge [sflag:s14], $0x100  }
0xb5: {  	[sflag:s14] =	ssyncset.done $0x0  }
0xb6: {  	[sflag:s14] =	ssyncadd.s32 $0xFFFFFF00  }
0xb7: {  	_ =	swait.ge [sflag:s14], $0x100  }
0xb8: {  	[sflag:s14] =	ssyncset.done $0x0  }
0xb9: {  	[sflag:s14] =	ssyncadd.s32 $0xFFFFFF00  }
0xba: {  	_ =	swait.ge [sflag:s14], $0x100  }
0xbb: {  	[sflag:s14] =	ssyncset.done $0x0  }
0xbc: {  	[sflag:s14] =	ssyncadd.s32 $0xFFFFFF00  }
0xbd: {  	_ =	swait.ge [sflag:s14], $0x100  }
0xbe: {  	[sflag:s14] =	ssyncset.done $0x0  }
0xbf: {  	[sflag:s14] =	ssyncadd.s32 $0xFFFFFF00  }
0xc0: {  	_ =	swait.ge [sflag:s14], $0x100  }
0xc1: {  	[sflag:s14] =	ssyncset.done $0x0  }
0xc2: {  	[sflag:s14] =	ssyncadd.s32 $0xFFFFFF00  }
0xc3: {  	_ =	swait.ge [sflag:s14], $0x100  }
0xc4: {  	[sflag:s14] =	ssyncset.done $0x0  }
0xc5: {  	[sflag:s14] =	ssyncadd.s32 $0xFFFFFF00  }
0xc6: {  	_ =	swait.ge [sflag:s14], $0x100  }
0xc7: {  	[sflag:s14] =	ssyncset.done $0x0  }
0xc8: {  	[sflag:s14] =	ssyncadd.s32 $0xFFFFFF00  }
0xc9: {  	_ =	swait.ge [sflag:s14], $0x100  }
0xca: {  	[sflag:s14] =	ssyncset.done $0x0  }
0xcb: {  	[sflag:s14] =	ssyncadd.s32 $0xFFFFFF00  }
0xcc: {  	_ =	swait.ge [sflag:s14], $0x100  }
0xcd: {  	[sflag:s14] =	ssyncset.done $0x0  }
0xce: {  	[sflag:s14] =	ssyncadd.s32 $0xFFFFFF00  }
0xcf: {  	_ =	swait.ge [sflag:s14], $0x100  }
0xd0: {  	[sflag:s14] =	ssyncset.done $0x0  }
0xd1: {  	[sflag:s14] =	ssyncadd.s32 $0xFFFFFF00  }
0xd2: {  	_ =	swait.ge [sflag:s14], $0x100  }
0xd3: {  	[sflag:s14] =	ssyncset.done $0x0  }
0xd4: {  	[sflag:s14] =	ssyncadd.s32 $0xFFFFFF00  }
0xd5: {  	_ =	swait.ge [sflag:s14], $0x100  }
0xd6: {  	[sflag:s14] =	ssyncset.done $0x0  }
0xd7: {  	[sflag:s14] =	ssyncadd.s32 $0xFFFFFF00  }
0xd8: {  	_ =	swait.ge [sflag:s14], $0x100  }
0xd9: {  	[sflag:s14] =	ssyncset.done $0x0  }
0xda: {  	[sflag:s14] =	ssyncadd.s32 $0xFFFFFF00  }
0xdb: {  	_ =	swait.ge [sflag:s14], $0x100  }
0xdc: {  	[sflag:s14] =	ssyncset.done $0x0  }
0xdd: {  	[sflag:s14] =	ssyncadd.s32 $0xFFFFFF00  }
0xde: {  	_ =	swait.ge [sflag:s14], $0x100  }
0xdf: {  	[sflag:s14] =	ssyncset.done $0x0  }
0xe0: {  	[sflag:s14] =	ssyncadd.s32 $0xFFFFFF00  }
0xe1: {  	_ =	swait.ge [sflag:s14], $0x100  }
0xe2: {  	[sflag:s14] =	ssyncset.done $0x0  }
0xe3: {  	[sflag:s14] =	ssyncadd.s32 $0xFFFFFF00  }
0xe4: {  	_ =	swait.ge [sflag:s14], $0x100  }
0xe5: {  	[sflag:s14] =	ssyncset.done $0x0  }
0xe6: {  	[sflag:s14] =	ssyncadd.s32 $0xFFFFFF00  }
0xe7: {  	_ =	swait.ge [sflag:s14], $0x100  }
0xe8: {  	[sflag:s14] =	ssyncset.done $0x0  }
0xe9: {  	[sflag:s14] =	ssyncadd.s32 $0xFFFFFF00  }
0xea: {  	_ =	swait.ge [sflag:s14], $0x100  }
0xeb: {  	[sflag:s14] =	ssyncset.done $0x0  }
0xec: {  	[sflag:s14] =	ssyncadd.s32 $0xFFFFFF00  }
0xed: {  	_ =	swait.ge [sflag:s14], $0x100  }
0xee: {  	[sflag:s14] =	ssyncset.done $0x0  }
0xef: {  	[sflag:s14] =	ssyncadd.s32 $0xFFFFFF00  }
0xf0: {  	_ =	swait.ge [sflag:s14], $0x100  }
0xf1: {  	[sflag:s14] =	ssyncset.done $0x0  }
0xf2: {  	[sflag:s14] =	ssyncadd.s32 $0xFFFFFF00  }
0xf3: {  	_ =	swait.ge [sflag:s14], $0x100  }
0xf4: {  	[sflag:s14] =	ssyncset.done $0x0  }
0xf5: {  	s15 =	sadd.s32 $0x1, s15;
	[sflag:s14] =	ssyncadd.s32 $0xFFFFFF00  }
0xf6: {  	p0 =	sne.s32 s15, s25;
	_ =	swait.ge [sflag:s14], $0x100  }
.Ltmp1:
0xf7: {  	[sflag:s14] =	ssyncset.done $0x0;
	(pc) =	sbr.rel @p0 .LBB2_1-.Ltmp1, $4  }
0xf8: {  	[sflag:s14] =	ssyncadd.s32 $0xFFFFFF00  }
0xf9: {  	_ =	swait.ge [sflag:s14], $0x100  }
0xfa: {  	[sflag:s14] =	ssyncset.done $0x0  }
0xfb: {  	[sflag:s14] =	ssyncadd.s32 $0xFFFFFF00  }
0xfc: {  	_ =	sfence.sel $0x180000  }
0xfd: {  	[bflag:$0x0] =	sbarrier.arrive $0xFFFF  }
0xfe: {  	_ =	strace $0x90000047  }
0xff: {  	s0 =	stileid.u32;
	[bflag:$0x2] =	sbarrier.arrive $0xFFFF  }
0x100: {  	p0 =	sne.s32 s0, $0x0;
	s0 =	rddreg [dreg:$0x3]  }
0x101: {  	s0 =	sadd.s32 @!p0 $0x100000, s0  }
0x102: {  	[sflag:s0] =	ssyncadd.tile.s32 @!p0 $0x1;
	_ =	shalt  }
.Lfunc_end2:
_tile_overlayer_lowered:
.L_overlay_start_2:
0x103: {  	(tag) =	ssettag $0x2  }
0x104: {  	s0 =	rddreg [dreg:$0x0];
	s2 =	stileid.u32  }
0x105: {  	s1 =	rddreg [dreg:$0x1];
	p0 =	sne.s32 s2, $0x0  }
0x106: {  	s3 =	rddreg [dreg:$0x2];
	[bflag:$0x3] =	sbarrier.arrive $0xFFFF;
	s2 =	simm.s32 @!p0 $0x1C03  }
0x107: {  	[timem:s3], [sflag:s2] =	dma.local @!p0 [hbm:s0], s1  }
0x108: {  	s0 =	simm.s32 @!p0 $0x3  }
0x109: {  	_ =	swait.ge @!p0 [sflag:s0], s1  }
0x10a: {  	s1 =	ssub.s32 @!p0 $0x0, s1;
	[sflag:s0] =	ssyncset.done @!p0 $0x0  }
0x10b: {  	[sflag:s0] =	ssyncadd.s32 @!p0 s1  }
0x10c: {  	[bflag:$0x3] =	sbarrier.arrive $0xFFFF  }
0x10d: {  	_ =	shalt  }

</sc_bundles>
